<compile_context>
chip_gen: v7x
topology: tpu7x:2x2x1
jax: 0.10.2.dev20260603
libtpu: 0.0.44.dev20260713+nightly
codegen_flags: <defaults>
</compile_context>

<pallas_src>
import jax
import jax.numpy as jnp
from jax import lax
from jax.experimental import pallas as pl
from jax.experimental.pallas import tpu as pltpu
from jax.experimental.pallas import tpu_sc as plsc

VOCAB = 1000
BATCH = 1024
SEQ = 50
LANES = 16
NUM_CORES = 2
NUM_SUBCORES = 16
NW = NUM_CORES * NUM_SUBCORES
VSLAB = 32
VLAST = VOCAB - (NW - 1) * VSLAB
NB16 = BATCH // LANES

_mesh = plsc.VectorSubcoreMesh(core_axis_name="c", subcore_axis_name="s")


def _lookup_body(tableT_hbm, idxT_hbm, out_hbm, slab_v, idx_v, buf_v,
                 ssem, osem):
    wid = lax.axis_index("s") * NUM_CORES + lax.axis_index("c")
    v0 = wid * VSLAB
    is_last = wid == NW - 1

    @pl.when(is_last)
    def _():
        pltpu.sync_copy(tableT_hbm.at[pl.ds(v0 * VOCAB, VLAST * VOCAB)],
                        slab_v.at[pl.ds(0, VLAST * VOCAB)])

    @pl.when(jnp.logical_not(is_last))
    def _():
        pltpu.sync_copy(tableT_hbm.at[pl.ds(v0 * VOCAB, VSLAB * VOCAB)],
                        slab_v)

    def idx_load(s, sl):
        return pltpu.make_async_copy(idxT_hbm.at[s], idx_v.at[sl], ssem)

    def out_full(s, sl):
        return pltpu.make_async_copy(
            buf_v.at[sl], out_hbm.at[s, pl.ds(v0, VSLAB), :], osem)

    def out_last(s, sl):
        return pltpu.make_async_copy(
            buf_v.at[sl, pl.ds(0, VLAST), :],
            out_hbm.at[s, pl.ds(v0, VLAST), :], osem)

    idx_load(0, 0).start()

    def body(s, carry):
        sl = lax.rem(s, 2)

        idx_load(s, sl).wait()

        @pl.when(s + 1 < SEQ)
        def _():
            idx_load(s + 1, 1 - sl).start()

        @pl.when(s >= 2)
        def _():
            @pl.when(is_last)
            def _():
                out_last(s - 2, sl).wait()

            @pl.when(jnp.logical_not(is_last))
            def _():
                out_full(s - 2, sl).wait()

        @plsc.parallel_loop(0, NB16, 1, unroll=2)
        def _(g):
            idxv = idx_v[sl, pl.ds(LANES * g, LANES)]
            for v in range(VSLAB):
                buf_v[sl, v, pl.ds(LANES * g, LANES)] = (
                    plsc.load_gather(slab_v, [idxv + v * VOCAB]))

        @pl.when(is_last)
        def _():
            out_last(s, sl).start()

        @pl.when(jnp.logical_not(is_last))
        def _():
            out_full(s, sl).start()

        return carry

    lax.fori_loop(0, SEQ, body, 0)

    @pl.when(is_last)
    def _():
        out_last(SEQ - 2, 0).wait()
        out_last(SEQ - 1, 1).wait()

    @pl.when(jnp.logical_not(is_last))
    def _():
        out_full(SEQ - 2, 0).wait()
        out_full(SEQ - 1, 1).wait()


_lookup = pl.kernel(
    _lookup_body,
    mesh=_mesh,
    out_type=jax.ShapeDtypeStruct((SEQ, VOCAB, BATCH), jnp.float32),
    scratch_types=[
        pltpu.VMEM((VSLAB * VOCAB,), jnp.float32),
        pltpu.VMEM((2, BATCH), jnp.int32),
        pltpu.VMEM((2, VSLAB, BATCH), jnp.float32),
        pltpu.SemaphoreType.DMA,
        pltpu.SemaphoreType.DMA,
    ],
    compiler_params=pltpu.CompilerParams(needs_layout_passes=False),
)


def kernel(idx, token_embedding_table):
    tableT_flat = token_embedding_table.T.reshape(-1)
    idxT = idx.astype(jnp.int32).T
    out_t = _lookup(tableT_flat, idxT)
    return jnp.transpose(out_t, (2, 0, 1))

# --- scband reference (transcript-rebuilt; emitter-appended) ---
"""Pipeline reference for scband-bigram-language-model-2302102470890 (READ-ONLY COPY).

The authoritative reference and input builder live on the scoring server;
editing this copy changes nothing except your own understanding.
"""

import jax, jax.numpy as jnp
import numpy as np

VOCAB = 1000
BATCH = 1024
SEQ = 50

def setup_inputs(seed: int = 0) -> dict:
    key = jax.random.key(seed)
    k_idx, k_tab = jax.random.split(key)
    idx = jax.random.randint(k_idx, (BATCH, SEQ), 0, VOCAB, dtype=jnp.int64 if jax.config.jax_enable_x64 else jnp.int32)
    token_embedding_table = jax.random.normal(k_tab, (VOCAB, VOCAB), dtype=jnp.float32)
    return {"idx": idx, "token_embedding_table": token_embedding_table}

def reference(idx, token_embedding_table):
    # BigramLanguageModel.forward: logits = self.token_embedding_table(idx)
    logits = jnp.take(token_embedding_table, idx, axis=0)
    return logits

if __name__ == "__main__":
    import jax
    _d = setup_inputs()
    print(jax.jit(kernel)(*tuple(_d.values())))

</pallas_src>

<mosaic_0001>
#map = affine_map<(d0, d1) -> (0)>
#map1 = affine_map<(d0, d1) -> (0, 0)>
#map2 = affine_map<(d0, d1) -> (0, 0, 0)>
module attributes {stable_mosaic.version = 14 : i64} {
  func.func @_lookup_body(%arg0: i32, %arg1: i32, %arg2: memref<1000000xf32, #tpu.memory_space<hbm>>, %arg3: memref<50x1024xi32, #tpu.memory_space<hbm>>, %arg4: memref<50x1000x1024xf32, #tpu.memory_space<hbm>>, %arg5: memref<32000xf32, #tpu.memory_space<vmem>>, %arg6: memref<2x1024xi32, #tpu.memory_space<vmem>>, %arg7: memref<2x32x1024xf32, #tpu.memory_space<vmem>>, %arg8: memref<!tpu.dma_semaphore, #tpu.memory_space<semaphore_mem>>, %arg9: memref<!tpu.dma_semaphore, #tpu.memory_space<semaphore_mem>>) attributes {dimension_semantics = [#tpu.dimension_semantics<core_parallel>, #tpu.dimension_semantics<subcore_parallel>], iteration_bounds = array<i64: 2, 16>, scalar_prefetch = 0 : i64, scratch_operands = 5 : i64, tpu.core_type = #tpu.core_type<sc_vector_subcore>, window_params = [{transform_indices = #map}, {transform_indices = #map1}, {transform_indices = #map2}]} {
    %mul3A = arith.constant 2 : i32
    %mul3A_0 = arith.muli %arg1, %mul3A : i32
    %add3A = arith.addi %mul3A_0, %arg0 : i32
    %mul3A_1 = arith.constant 32 : i32
    %mul3A_2 = arith.muli %add3A, %mul3A_1 : i32
    %eq3A = arith.constant 31 : i32
    %eq3A_3 = arith.cmpi eq, %add3A, %eq3A : i32
    %convert_element_type3A = arith.extui %eq3A_3 : i1 to i32
    %cond3A = arith.constant 0 : i32
    %cond3A_4 = arith.cmpi ne, %convert_element_type3A, %cond3A : i32
    scf.if %cond3A_4 {
      %mul3A_35 = arith.constant 1000 : i32
      %mul3A_36 = arith.muli %mul3A_2, %mul3A_35 : i32
      "tpu.region"() ({
        %run_scoped3A = tpu.sem_alloc : memref<!tpu.dma_semaphore, #tpu.memory_space<semaphore_mem>>
        %dma_start3A_37 = arith.constant 0 : i32
        %dma_start3A_38 = tpu.memref_slice %arg5[%dma_start3A_37] : memref<32000xf32, #tpu.memory_space<vmem>> -> memref<8000xf32, #tpu.memory_space<vmem>>
        %dma_start3A_39 = tpu.memref_slice %arg2[%mul3A_36] : memref<1000000xf32, #tpu.memory_space<hbm>> -> memref<8000xf32, #tpu.memory_space<hbm>>
        %dma_start3A_40 = arith.constant 0 : i32
        %dma_start3A_41 = tpu.memref_slice %arg5[%dma_start3A_40] : memref<32000xf32, #tpu.memory_space<vmem>> -> memref<8000xf32, #tpu.memory_space<vmem>>
        %dma_start3A_42 = tpu.memref_slice %arg2[%mul3A_36] : memref<1000000xf32, #tpu.memory_space<hbm>> -> memref<8000xf32, #tpu.memory_space<hbm>>
        tpu.enqueue_dma source(%dma_start3A_42 : memref<8000xf32, #tpu.memory_space<hbm>>) target(%dma_start3A_41 : memref<8000xf32, #tpu.memory_space<vmem>>) target_semaphore(%run_scoped3A : memref<!tpu.dma_semaphore, #tpu.memory_space<semaphore_mem>>)
        %dma_wait3A = arith.constant 0 : i32
        %dma_wait3A_43 = tpu.memref_slice %arg5[%dma_wait3A] : memref<32000xf32, #tpu.memory_space<vmem>> -> memref<8000xf32, #tpu.memory_space<vmem>>
        %dma_wait3A_44 = tpu.memref_slice %arg2[%mul3A_36] : memref<1000000xf32, #tpu.memory_space<hbm>> -> memref<8000xf32, #tpu.memory_space<hbm>>
        %dma_wait3A_45 = arith.constant 0 : i32
        %dma_wait3A_46 = tpu.memref_slice %arg5[%dma_wait3A_45] : memref<32000xf32, #tpu.memory_space<vmem>> -> memref<8000xf32, #tpu.memory_space<vmem>>
        %dma_wait3A_47 = tpu.memref_slice %arg2[%mul3A_36] : memref<1000000xf32, #tpu.memory_space<hbm>> -> memref<8000xf32, #tpu.memory_space<hbm>>
        tpu.wait_dma2 semaphore(%run_scoped3A : memref<!tpu.dma_semaphore, #tpu.memory_space<semaphore_mem>>) src(%dma_wait3A_47 : memref<8000xf32, #tpu.memory_space<hbm>>) dst(%dma_wait3A_46 : memref<8000xf32, #tpu.memory_space<vmem>>)
        tpu.yield
      }) : () -> ()
    } else {
    }
    %not3A = arith.constant true
    %not3A_5 = arith.xori %eq3A_3, %not3A : i1
    %convert_element_type3A_6 = arith.extui %not3A_5 : i1 to i32
    %cond3A_7 = arith.constant 0 : i32
    %cond3A_8 = arith.cmpi ne, %convert_element_type3A_6, %cond3A_7 : i32
    scf.if %cond3A_8 {
      %mul3A_35 = arith.constant 1000 : i32
      %mul3A_36 = arith.muli %mul3A_2, %mul3A_35 : i32
      "tpu.region"() ({
        %run_scoped3A = tpu.sem_alloc : memref<!tpu.dma_semaphore, #tpu.memory_space<semaphore_mem>>
        %dma_start3A_37 = tpu.memref_slice %arg2[%mul3A_36] : memref<1000000xf32, #tpu.memory_space<hbm>> -> memref<32000xf32, #tpu.memory_space<hbm>>
        %dma_start3A_38 = tpu.memref_slice %arg2[%mul3A_36] : memref<1000000xf32, #tpu.memory_space<hbm>> -> memref<32000xf32, #tpu.memory_space<hbm>>
        tpu.enqueue_dma source(%dma_start3A_38 : memref<32000xf32, #tpu.memory_space<hbm>>) target(%arg5 : memref<32000xf32, #tpu.memory_space<vmem>>) target_semaphore(%run_scoped3A : memref<!tpu.dma_semaphore, #tpu.memory_space<semaphore_mem>>)
        %dma_wait3A = tpu.memref_slice %arg2[%mul3A_36] : memref<1000000xf32, #tpu.memory_space<hbm>> -> memref<32000xf32, #tpu.memory_space<hbm>>
        %dma_wait3A_39 = tpu.memref_slice %arg2[%mul3A_36] : memref<1000000xf32, #tpu.memory_space<hbm>> -> memref<32000xf32, #tpu.memory_space<hbm>>
        tpu.wait_dma2 semaphore(%run_scoped3A : memref<!tpu.dma_semaphore, #tpu.memory_space<semaphore_mem>>) src(%dma_wait3A_39 : memref<32000xf32, #tpu.memory_space<hbm>>) dst(%arg5 : memref<32000xf32, #tpu.memory_space<vmem>>)
        tpu.yield
      }) : () -> ()
    } else {
    }
    %dma_start3A = arith.constant 0 : i32
    %dma_start3A_9 = arith.constant 0 : i32
    %dma_start3A_10 = arith.constant 0 : i32
    %dma_start3A_11 = tpu.memref_slice %arg6[%dma_start3A_9, %dma_start3A_10] : memref<2x1024xi32, #tpu.memory_space<vmem>> -> memref<1x1024xi32, #tpu.memory_space<vmem>>
    %dma_start3A_12 = tpu.memref_squeeze %dma_start3A_11 : memref<1x1024xi32, #tpu.memory_space<vmem>> -> memref<1024xi32, #tpu.memory_space<vmem>>
    %dma_start3A_13 = arith.constant 0 : i32
    %dma_start3A_14 = tpu.memref_slice %arg3[%dma_start3A, %dma_start3A_13] : memref<50x1024xi32, #tpu.memory_space<hbm>> -> memref<1x1024xi32, #tpu.memory_space<hbm>>
    %dma_start3A_15 = tpu.memref_squeeze %dma_start3A_14 : memref<1x1024xi32, #tpu.memory_space<hbm>> -> memref<1024xi32, #tpu.memory_space<hbm>>
    %dma_start3A_16 = arith.constant 0 : i32
    %dma_start3A_17 = tpu.memref_slice %arg6[%dma_start3A_9, %dma_start3A_16] : memref<2x1024xi32, #tpu.memory_space<vmem>> -> memref<1x1024xi32, #tpu.memory_space<vmem>>
    %dma_start3A_18 = tpu.memref_squeeze %dma_start3A_17 : memref<1x1024xi32, #tpu.memory_space<vmem>> -> memref<1024xi32, #tpu.memory_space<vmem>>
    %dma_start3A_19 = arith.constant 0 : i32
    %dma_start3A_20 = tpu.memref_slice %arg3[%dma_start3A, %dma_start3A_19] : memref<50x1024xi32, #tpu.memory_space<hbm>> -> memref<1x1024xi32, #tpu.memory_space<hbm>>
    %dma_start3A_21 = tpu.memref_squeeze %dma_start3A_20 : memref<1x1024xi32, #tpu.memory_space<hbm>> -> memref<1024xi32, #tpu.memory_space<hbm>>
    tpu.enqueue_dma source(%dma_start3A_21 : memref<1024xi32, #tpu.memory_space<hbm>>) target(%dma_start3A_18 : memref<1024xi32, #tpu.memory_space<vmem>>) target_semaphore(%arg8 : memref<!tpu.dma_semaphore, #tpu.memory_space<semaphore_mem>>)
    %scan3A = arith.constant 0 : i32
    %scan3A_22 = arith.constant 0 : i32
    %scan3A_23 = arith.constant 50 : i32
    %scan3A_24 = arith.addi %scan3A_22, %scan3A_23 : i32
    %scan3A_25 = arith.constant 1 : i32
    scf.for %scan3A_35 = %scan3A_22 to %scan3A_24 step %scan3A_25  : i32 {
      %rem3A = arith.constant 2 : i32
      %rem3A_36 = arith.remsi %scan3A_35, %rem3A : i32
      %dma_wait3A = arith.constant 0 : i32
      %dma_wait3A_37 = tpu.memref_slice %arg6[%rem3A_36, %dma_wait3A] : memref<2x1024xi32, #tpu.memory_space<vmem>> -> memref<1x1024xi32, #tpu.memory_space<vmem>>
      %dma_wait3A_38 = tpu.memref_squeeze %dma_wait3A_37 : memref<1x1024xi32, #tpu.memory_space<vmem>> -> memref<1024xi32, #tpu.memory_space<vmem>>
      %dma_wait3A_39 = arith.constant 0 : i32
      %dma_wait3A_40 = tpu.memref_slice %arg3[%scan3A_35, %dma_wait3A_39] : memref<50x1024xi32, #tpu.memory_space<hbm>> -> memref<1x1024xi32, #tpu.memory_space<hbm>>
      %dma_wait3A_41 = tpu.memref_squeeze %dma_wait3A_40 : memref<1x1024xi32, #tpu.memory_space<hbm>> -> memref<1024xi32, #tpu.memory_space<hbm>>
      %dma_wait3A_42 = arith.constant 0 : i32
      %dma_wait3A_43 = tpu.memref_slice %arg6[%rem3A_36, %dma_wait3A_42] : memref<2x1024xi32, #tpu.memory_space<vmem>> -> memref<1x1024xi32, #tpu.memory_space<vmem>>
      %dma_wait3A_44 = tpu.memref_squeeze %dma_wait3A_43 : memref<1x1024xi32, #tpu.memory_space<vmem>> -> memref<1024xi32, #tpu.memory_space<vmem>>
      %dma_wait3A_45 = arith.constant 0 : i32
      %dma_wait3A_46 = tpu.memref_slice %arg3[%scan3A_35, %dma_wait3A_45] : memref<50x1024xi32, #tpu.memory_space<hbm>> -> memref<1x1024xi32, #tpu.memory_space<hbm>>
      %dma_wait3A_47 = tpu.memref_squeeze %dma_wait3A_46 : memref<1x1024xi32, #tpu.memory_space<hbm>> -> memref<1024xi32, #tpu.memory_space<hbm>>
      tpu.wait_dma2 semaphore(%arg8 : memref<!tpu.dma_semaphore, #tpu.memory_space<semaphore_mem>>) src(%dma_wait3A_47 : memref<1024xi32, #tpu.memory_space<hbm>>) dst(%dma_wait3A_44 : memref<1024xi32, #tpu.memory_space<vmem>>)
      %add3A_48 = arith.constant 1 : i32
      %add3A_49 = arith.addi %scan3A_35, %add3A_48 : i32
      %lt3A = arith.constant 50 : i32
      %lt3A_50 = arith.cmpi slt, %add3A_49, %lt3A : i32
      %convert_element_type3A_51 = arith.extui %lt3A_50 : i1 to i32
      %cond3A_52 = arith.constant 0 : i32
      %cond3A_53 = arith.cmpi ne, %convert_element_type3A_51, %cond3A_52 : i32
      scf.if %cond3A_53 {
        %add3A_68 = arith.constant 1 : i32
        %add3A_69 = arith.addi %scan3A_35, %add3A_68 : i32
        %sub3A = arith.constant 1 : i32
        %sub3A_70 = arith.subi %sub3A, %rem3A_36 : i32
        %dma_start3A_71 = arith.constant 0 : i32
        %dma_start3A_72 = tpu.memref_slice %arg6[%sub3A_70, %dma_start3A_71] : memref<2x1024xi32, #tpu.memory_space<vmem>> -> memref<1x1024xi32, #tpu.memory_space<vmem>>
        %dma_start3A_73 = tpu.memref_squeeze %dma_start3A_72 : memref<1x1024xi32, #tpu.memory_space<vmem>> -> memref<1024xi32, #tpu.memory_space<vmem>>
        %dma_start3A_74 = arith.constant 0 : i32
        %dma_start3A_75 = tpu.memref_slice %arg3[%add3A_69, %dma_start3A_74] : memref<50x1024xi32, #tpu.memory_space<hbm>> -> memref<1x1024xi32, #tpu.memory_space<hbm>>
        %dma_start3A_76 = tpu.memref_squeeze %dma_start3A_75 : memref<1x1024xi32, #tpu.memory_space<hbm>> -> memref<1024xi32, #tpu.memory_space<hbm>>
        %dma_start3A_77 = arith.constant 0 : i32
        %dma_start3A_78 = tpu.memref_slice %arg6[%sub3A_70, %dma_start3A_77] : memref<2x1024xi32, #tpu.memory_space<vmem>> -> memref<1x1024xi32, #tpu.memory_space<vmem>>
        %dma_start3A_79 = tpu.memref_squeeze %dma_start3A_78 : memref<1x1024xi32, #tpu.memory_space<vmem>> -> memref<1024xi32, #tpu.memory_space<vmem>>
        %dma_start3A_80 = arith.constant 0 : i32
        %dma_start3A_81 = tpu.memref_slice %arg3[%add3A_69, %dma_start3A_80] : memref<50x1024xi32, #tpu.memory_space<hbm>> -> memref<1x1024xi32, #tpu.memory_space<hbm>>
        %dma_start3A_82 = tpu.memref_squeeze %dma_start3A_81 : memref<1x1024xi32, #tpu.memory_space<hbm>> -> memref<1024xi32, #tpu.memory_space<hbm>>
        tpu.enqueue_dma source(%dma_start3A_82 : memref<1024xi32, #tpu.memory_space<hbm>>) target(%dma_start3A_79 : memref<1024xi32, #tpu.memory_space<vmem>>) target_semaphore(%arg8 : memref<!tpu.dma_semaphore, #tpu.memory_space<semaphore_mem>>)
      } else {
      }
      %ge3A = arith.constant 2 : i32
      %ge3A_54 = arith.cmpi sge, %scan3A_35, %ge3A : i32
      %convert_element_type3A_55 = arith.extui %ge3A_54 : i1 to i32
      %cond3A_56 = arith.constant 0 : i32
      %cond3A_57 = arith.cmpi ne, %convert_element_type3A_55, %cond3A_56 : i32
      scf.if %cond3A_57 {
        %convert_element_type3A_68 = arith.extui %eq3A_3 : i1 to i32
        %cond3A_69 = arith.constant 0 : i32
        %cond3A_70 = arith.cmpi ne, %convert_element_type3A_68, %cond3A_69 : i32
        scf.if %cond3A_70 {
          %sub3A = arith.constant 2 : i32
          %sub3A_76 = arith.subi %scan3A_35, %sub3A : i32
          %dma_wait3A_77 = arith.constant 0 : i32
          %dma_wait3A_78 = arith.constant 0 : i32
          %dma_wait3A_79 = tpu.memref_slice %arg7[%rem3A_36, %dma_wait3A_77, %dma_wait3A_78] : memref<2x32x1024xf32, #tpu.memory_space<vmem>> -> memref<1x8x1024xf32, #tpu.memory_space<vmem>>
          %dma_wait3A_80 = tpu.memref_squeeze %dma_wait3A_79 : memref<1x8x1024xf32, #tpu.memory_space<vmem>> -> memref<8x1024xf32, #tpu.memory_space<vmem>>
          %dma_wait3A_81 = arith.constant 0 : i32
          %dma_wait3A_82 = tpu.memref_slice %arg4[%sub3A_76, %mul3A_2, %dma_wait3A_81] : memref<50x1000x1024xf32, #tpu.memory_space<hbm>> -> memref<1x8x1024xf32, #tpu.memory_space<hbm>>
          %dma_wait3A_83 = tpu.memref_squeeze %dma_wait3A_82 : memref<1x8x1024xf32, #tpu.memory_space<hbm>> -> memref<8x1024xf32, #tpu.memory_space<hbm>>
          %dma_wait3A_84 = arith.constant 0 : i32
          %dma_wait3A_85 = tpu.memref_slice %arg4[%sub3A_76, %mul3A_2, %dma_wait3A_84] : memref<50x1000x1024xf32, #tpu.memory_space<hbm>> -> memref<1x8x1024xf32, #tpu.memory_space<hbm>>
          %dma_wait3A_86 = tpu.memref_squeeze %dma_wait3A_85 : memref<1x8x1024xf32, #tpu.memory_space<hbm>> -> memref<8x1024xf32, #tpu.memory_space<hbm>>
          %dma_wait3A_87 = arith.constant 0 : i32
          %dma_wait3A_88 = arith.constant 0 : i32
          %dma_wait3A_89 = tpu.memref_slice %arg7[%rem3A_36, %dma_wait3A_87, %dma_wait3A_88] : memref<2x32x1024xf32, #tpu.memory_space<vmem>> -> memref<1x8x1024xf32, #tpu.memory_space<vmem>>
          %dma_wait3A_90 = tpu.memref_squeeze %dma_wait3A_89 : memref<1x8x1024xf32, #tpu.memory_space<vmem>> -> memref<8x1024xf32, #tpu.memory_space<vmem>>
          tpu.wait_dma2 semaphore(%arg9 : memref<!tpu.dma_semaphore, #tpu.memory_space<semaphore_mem>>) src(%dma_wait3A_90 : memref<8x1024xf32, #tpu.memory_space<vmem>>) dst(%dma_wait3A_86 : memref<8x1024xf32, #tpu.memory_space<hbm>>)
        } else {
        }
        %not3A_71 = arith.constant true
        %not3A_72 = arith.xori %eq3A_3, %not3A_71 : i1
        %convert_element_type3A_73 = arith.extui %not3A_72 : i1 to i32
        %cond3A_74 = arith.constant 0 : i32
        %cond3A_75 = arith.cmpi ne, %convert_element_type3A_73, %cond3A_74 : i32
        scf.if %cond3A_75 {
          %sub3A = arith.constant 2 : i32
          %sub3A_76 = arith.subi %scan3A_35, %sub3A : i32
          %dma_wait3A_77 = arith.constant 0 : i32
          %dma_wait3A_78 = arith.constant 0 : i32
          %dma_wait3A_79 = tpu.memref_slice %arg7[%rem3A_36, %dma_wait3A_77, %dma_wait3A_78] : memref<2x32x1024xf32, #tpu.memory_space<vmem>> -> memref<1x32x1024xf32, #tpu.memory_space<vmem>>
          %dma_wait3A_80 = tpu.memref_squeeze %dma_wait3A_79 : memref<1x32x1024xf32, #tpu.memory_space<vmem>> -> memref<32x1024xf32, #tpu.memory_space<vmem>>
          %dma_wait3A_81 = arith.constant 0 : i32
          %dma_wait3A_82 = tpu.memref_slice %arg4[%sub3A_76, %mul3A_2, %dma_wait3A_81] : memref<50x1000x1024xf32, #tpu.memory_space<hbm>> -> memref<1x32x1024xf32, #tpu.memory_space<hbm>>
          %dma_wait3A_83 = tpu.memref_squeeze %dma_wait3A_82 : memref<1x32x1024xf32, #tpu.memory_space<hbm>> -> memref<32x1024xf32, #tpu.memory_space<hbm>>
          %dma_wait3A_84 = arith.constant 0 : i32
          %dma_wait3A_85 = tpu.memref_slice %arg4[%sub3A_76, %mul3A_2, %dma_wait3A_84] : memref<50x1000x1024xf32, #tpu.memory_space<hbm>> -> memref<1x32x1024xf32, #tpu.memory_space<hbm>>
          %dma_wait3A_86 = tpu.memref_squeeze %dma_wait3A_85 : memref<1x32x1024xf32, #tpu.memory_space<hbm>> -> memref<32x1024xf32, #tpu.memory_space<hbm>>
          %dma_wait3A_87 = arith.constant 0 : i32
          %dma_wait3A_88 = arith.constant 0 : i32
          %dma_wait3A_89 = tpu.memref_slice %arg7[%rem3A_36, %dma_wait3A_87, %dma_wait3A_88] : memref<2x32x1024xf32, #tpu.memory_space<vmem>> -> memref<1x32x1024xf32, #tpu.memory_space<vmem>>
          %dma_wait3A_90 = tpu.memref_squeeze %dma_wait3A_89 : memref<1x32x1024xf32, #tpu.memory_space<vmem>> -> memref<32x1024xf32, #tpu.memory_space<vmem>>
          tpu.wait_dma2 semaphore(%arg9 : memref<!tpu.dma_semaphore, #tpu.memory_space<semaphore_mem>>) src(%dma_wait3A_90 : memref<32x1024xf32, #tpu.memory_space<vmem>>) dst(%dma_wait3A_86 : memref<32x1024xf32, #tpu.memory_space<hbm>>)
        } else {
        }
      } else {
      }
      %parallel_loop3A = arith.constant 0 : i32
      %parallel_loop3A_58 = arith.constant 64 : i32
      %parallel_loop3A_59 = arith.constant 1 : i32
      scf.for %parallel_loop3A_68 = %parallel_loop3A to %parallel_loop3A_58 step %parallel_loop3A_59  : i32 {
        %parallel_loop3A_69 = arith.constant 16 : i32
        %parallel_loop3A_70 = arith.muli %parallel_loop3A_69, %parallel_loop3A_68 : i32
        %parallel_loop3A_71 = arith.index_cast %rem3A_36 : i32 to index
        %parallel_loop3A_72 = arith.index_cast %parallel_loop3A_70 : i32 to index
        %parallel_loop3A_73 = tpu.vector_load %arg6[%parallel_loop3A_71, %parallel_loop3A_72] {strides = array<i32>} : memref<2x1024xi32, #tpu.memory_space<vmem>>, vector<16xi32>,
        %parallel_loop3A_74 = arith.constant 0 : i32
        %parallel_loop3A_75 = vector.broadcast %parallel_loop3A_74 : i32 to vector<16xi32>
        %parallel_loop3A_76 = arith.addi %parallel_loop3A_73, %parallel_loop3A_75 : vector<16xi32>
        %parallel_loop3A_77 = tpu.vector_load_idx %arg5[%parallel_loop3A_76] : memref<32000xf32, #tpu.memory_space<vmem>>[vector<16xi32>], vector<16xf32>,
        %parallel_loop3A_78 = arith.constant 16 : i32
        %parallel_loop3A_79 = arith.muli %parallel_loop3A_78, %parallel_loop3A_68 : i32
        %parallel_loop3A_80 = arith.constant 0 : i32
        %parallel_loop3A_81 = arith.index_cast %rem3A_36 : i32 to index
        %parallel_loop3A_82 = arith.index_cast %parallel_loop3A_80 : i32 to index
        %parallel_loop3A_83 = arith.index_cast %parallel_loop3A_79 : i32 to index
        %parallel_loop3A_84 = tpu.vector_load %arg7[%parallel_loop3A_81, %parallel_loop3A_82, %parallel_loop3A_83] {strides = array<i32>} : memref<2x32x1024xf32, #tpu.memory_space<vmem>>, vector<16xf32>,
        tpu.vector_store %arg7[%parallel_loop3A_81, %parallel_loop3A_82, %parallel_loop3A_83], %parallel_loop3A_77 {strides = array<i32>} : memref<2x32x1024xf32, #tpu.memory_space<vmem>>, vector<16xf32>,
        %parallel_loop3A_85 = arith.constant 1000 : i32
        %parallel_loop3A_86 = vector.broadcast %parallel_loop3A_85 : i32 to vector<16xi32>
        %parallel_loop3A_87 = arith.addi %parallel_loop3A_73, %parallel_loop3A_86 : vector<16xi32>
        %parallel_loop3A_88 = tpu.vector_load_idx %arg5[%parallel_loop3A_87] : memref<32000xf32, #tpu.memory_space<vmem>>[vector<16xi32>], vector<16xf32>,
        %parallel_loop3A_89 = arith.constant 16 : i32
        %parallel_loop3A_90 = arith.muli %parallel_loop3A_89, %parallel_loop3A_68 : i32
        %parallel_loop3A_91 = arith.constant 1 : i32
        %parallel_loop3A_92 = arith.index_cast %rem3A_36 : i32 to index
        %parallel_loop3A_93 = arith.index_cast %parallel_loop3A_91 : i32 to index
        %parallel_loop3A_94 = arith.index_cast %parallel_loop3A_90 : i32 to index
        %parallel_loop3A_95 = tpu.vector_load %arg7[%parallel_loop3A_92, %parallel_loop3A_93, %parallel_loop3A_94] {strides = array<i32>} : memref<2x32x1024xf32, #tpu.memory_space<vmem>>, vector<16xf32>,
        tpu.vector_store %arg7[%parallel_loop3A_92, %parallel_loop3A_93, %parallel_loop3A_94], %parallel_loop3A_88 {strides = array<i32>} : memref<2x32x1024xf32, #tpu.memory_space<vmem>>, vector<16xf32>,
        %parallel_loop3A_96 = arith.constant 2000 : i32
        %parallel_loop3A_97 = vector.broadcast %parallel_loop3A_96 : i32 to vector<16xi32>
        %parallel_loop3A_98 = arith.addi %parallel_loop3A_73, %parallel_loop3A_97 : vector<16xi32>
        %parallel_loop3A_99 = tpu.vector_load_idx %arg5[%parallel_loop3A_98] : memref<32000xf32, #tpu.memory_space<vmem>>[vector<16xi32>], vector<16xf32>,
        %parallel_loop3A_100 = arith.constant 16 : i32
        %parallel_loop3A_101 = arith.muli %parallel_loop3A_100, %parallel_loop3A_68 : i32
        %parallel_loop3A_102 = arith.constant 2 : i32
        %parallel_loop3A_103 = arith.index_cast %rem3A_36 : i32 to index
        %parallel_loop3A_104 = arith.index_cast %parallel_loop3A_102 : i32 to index
        %parallel_loop3A_105 = arith.index_cast %parallel_loop3A_101 : i32 to index
        %parallel_loop3A_106 = tpu.vector_load %arg7[%parallel_loop3A_103, %parallel_loop3A_104, %parallel_loop3A_105] {strides = array<i32>} : memref<2x32x1024xf32, #tpu.memory_space<vmem>>, vector<16xf32>,
        tpu.vector_store %arg7[%parallel_loop3A_103, %parallel_loop3A_104, %parallel_loop3A_105], %parallel_loop3A_99 {strides = array<i32>} : memref<2x32x1024xf32, #tpu.memory_space<vmem>>, vector<16xf32>,
        %parallel_loop3A_107 = arith.constant 3000 : i32
        %parallel_loop3A_108 = vector.broadcast %parallel_loop3A_107 : i32 to vector<16xi32>
        %parallel_loop3A_109 = arith.addi %parallel_loop3A_73, %parallel_loop3A_108 : vector<16xi32>
        %parallel_loop3A_110 = tpu.vector_load_idx %arg5[%parallel_loop3A_109] : memref<32000xf32, #tpu.memory_space<vmem>>[vector<16xi32>], vector<16xf32>,
        %parallel_loop3A_111 = arith.constant 16 : i32
        %parallel_loop3A_112 = arith.muli %parallel_loop3A_111, %parallel_loop3A_68 : i32
        %parallel_loop3A_113 = arith.constant 3 : i32
        %parallel_loop3A_114 = arith.index_cast %rem3A_36 : i32 to index
        %parallel_loop3A_115 = arith.index_cast %parallel_loop3A_113 : i32 to index
        %parallel_loop3A_116 = arith.index_cast %parallel_loop3A_112 : i32 to index
        %parallel_loop3A_117 = tpu.vector_load %arg7[%parallel_loop3A_114, %parallel_loop3A_115, %parallel_loop3A_116] {strides = array<i32>} : memref<2x32x1024xf32, #tpu.memory_space<vmem>>, vector<16xf32>,
        tpu.vector_store %arg7[%parallel_loop3A_114, %parallel_loop3A_115, %parallel_loop3A_116], %parallel_loop3A_110 {strides = array<i32>} : memref<2x32x1024xf32, #tpu.memory_space<vmem>>, vector<16xf32>,
        %parallel_loop3A_118 = arith.constant 4000 : i32
        %parallel_loop3A_119 = vector.broadcast %parallel_loop3A_118 : i32 to vector<16xi32>
        %parallel_loop3A_120 = arith.addi %parallel_loop3A_73, %parallel_loop3A_119 : vector<16xi32>
        %parallel_loop3A_121 = tpu.vector_load_idx %arg5[%parallel_loop3A_120] : memref<32000xf32, #tpu.memory_space<vmem>>[vector<16xi32>], vector<16xf32>,
        %parallel_loop3A_122 = arith.constant 16 : i32
        %parallel_loop3A_123 = arith.muli %parallel_loop3A_122, %parallel_loop3A_68 : i32
        %parallel_loop3A_124 = arith.constant 4 : i32
        %parallel_loop3A_125 = arith.index_cast %rem3A_36 : i32 to index
        %parallel_loop3A_126 = arith.index_cast %parallel_loop3A_124 : i32 to index
        %parallel_loop3A_127 = arith.index_cast %parallel_loop3A_123 : i32 to index
        %parallel_loop3A_128 = tpu.vector_load %arg7[%parallel_loop3A_125, %parallel_loop3A_126, %parallel_loop3A_127] {strides = array<i32>} : memref<2x32x1024xf32, #tpu.memory_space<vmem>>, vector<16xf32>,
        tpu.vector_store %arg7[%parallel_loop3A_125, %parallel_loop3A_126, %parallel_loop3A_127], %parallel_loop3A_121 {strides = array<i32>} : memref<2x32x1024xf32, #tpu.memory_space<vmem>>, vector<16xf32>,
        %parallel_loop3A_129 = arith.constant 5000 : i32
        %parallel_loop3A_130 = vector.broadcast %parallel_loop3A_129 : i32 to vector<16xi32>
        %parallel_loop3A_131 = arith.addi %parallel_loop3A_73, %parallel_loop3A_130 : vector<16xi32>
        %parallel_loop3A_132 = tpu.vector_load_idx %arg5[%parallel_loop3A_131] : memref<32000xf32, #tpu.memory_space<vmem>>[vector<16xi32>], vector<16xf32>,
        %parallel_loop3A_133 = arith.constant 16 : i32
        %parallel_loop3A_134 = arith.muli %parallel_loop3A_133, %parallel_loop3A_68 : i32
        %parallel_loop3A_135 = arith.constant 5 : i32
        %parallel_loop3A_136 = arith.index_cast %rem3A_36 : i32 to index
        %parallel_loop3A_137 = arith.index_cast %parallel_loop3A_135 : i32 to index
        %parallel_loop3A_138 = arith.index_cast %parallel_loop3A_134 : i32 to index
        %parallel_loop3A_139 = tpu.vector_load %arg7[%parallel_loop3A_136, %parallel_loop3A_137, %parallel_loop3A_138] {strides = array<i32>} : memref<2x32x1024xf32, #tpu.memory_space<vmem>>, vector<16xf32>,
        tpu.vector_store %arg7[%parallel_loop3A_136, %parallel_loop3A_137, %parallel_loop3A_138], %parallel_loop3A_132 {strides = array<i32>} : memref<2x32x1024xf32, #tpu.memory_space<vmem>>, vector<16xf32>,
        %parallel_loop3A_140 = arith.constant 6000 : i32
        %parallel_loop3A_141 = vector.broadcast %parallel_loop3A_140 : i32 to vector<16xi32>
        %parallel_loop3A_142 = arith.addi %parallel_loop3A_73, %parallel_loop3A_141 : vector<16xi32>
        %parallel_loop3A_143 = tpu.vector_load_idx %arg5[%parallel_loop3A_142] : memref<32000xf32, #tpu.memory_space<vmem>>[vector<16xi32>], vector<16xf32>,
        %parallel_loop3A_144 = arith.constant 16 : i32
        %parallel_loop3A_145 = arith.muli %parallel_loop3A_144, %parallel_loop3A_68 : i32
        %parallel_loop3A_146 = arith.constant 6 : i32
        %parallel_loop3A_147 = arith.index_cast %rem3A_36 : i32 to index
        %parallel_loop3A_148 = arith.index_cast %parallel_loop3A_146 : i32 to index
        %parallel_loop3A_149 = arith.index_cast %parallel_loop3A_145 : i32 to index
        %parallel_loop3A_150 = tpu.vector_load %arg7[%parallel_loop3A_147, %parallel_loop3A_148, %parallel_loop3A_149] {strides = array<i32>} : memref<2x32x1024xf32, #tpu.memory_space<vmem>>, vector<16xf32>,
        tpu.vector_store %arg7[%parallel_loop3A_147, %parallel_loop3A_148, %parallel_loop3A_149], %parallel_loop3A_143 {strides = array<i32>} : memref<2x32x1024xf32, #tpu.memory_space<vmem>>, vector<16xf32>,
        %parallel_loop3A_151 = arith.constant 7000 : i32
        %parallel_loop3A_152 = vector.broadcast %parallel_loop3A_151 : i32 to vector<16xi32>
        %parallel_loop3A_153 = arith.addi %parallel_loop3A_73, %parallel_loop3A_152 : vector<16xi32>
        %parallel_loop3A_154 = tpu.vector_load_idx %arg5[%parallel_loop3A_153] : memref<32000xf32, #tpu.memory_space<vmem>>[vector<16xi32>], vector<16xf32>,
        %parallel_loop3A_155 = arith.constant 16 : i32
        %parallel_loop3A_156 = arith.muli %parallel_loop3A_155, %parallel_loop3A_68 : i32
        %parallel_loop3A_157 = arith.constant 7 : i32
        %parallel_loop3A_158 = arith.index_cast %rem3A_36 : i32 to index
        %parallel_loop3A_159 = arith.index_cast %parallel_loop3A_157 : i32 to index
        %parallel_loop3A_160 = arith.index_cast %parallel_loop3A_156 : i32 to index
        %parallel_loop3A_161 = tpu.vector_load %arg7[%parallel_loop3A_158, %parallel_loop3A_159, %parallel_loop3A_160] {strides = array<i32>} : memref<2x32x1024xf32, #tpu.memory_space<vmem>>, vector<16xf32>,
        tpu.vector_store %arg7[%parallel_loop3A_158, %parallel_loop3A_159, %parallel_loop3A_160], %parallel_loop3A_154 {strides = array<i32>} : memref<2x32x1024xf32, #tpu.memory_space<vmem>>, vector<16xf32>,
        %parallel_loop3A_162 = arith.constant 8000 : i32
        %parallel_loop3A_163 = vector.broadcast %parallel_loop3A_162 : i32 to vector<16xi32>
        %parallel_loop3A_164 = arith.addi %parallel_loop3A_73, %parallel_loop3A_163 : vector<16xi32>
        %parallel_loop3A_165 = tpu.vector_load_idx %arg5[%parallel_loop3A_164] : memref<32000xf32, #tpu.memory_space<vmem>>[vector<16xi32>], vector<16xf32>,
        %parallel_loop3A_166 = arith.constant 16 : i32
        %parallel_loop3A_167 = arith.muli %parallel_loop3A_166, %parallel_loop3A_68 : i32
        %parallel_loop3A_168 = arith.constant 8 : i32
        %parallel_loop3A_169 = arith.index_cast %rem3A_36 : i32 to index
        %parallel_loop3A_170 = arith.index_cast %parallel_loop3A_168 : i32 to index
        %parallel_loop3A_171 = arith.index_cast %parallel_loop3A_167 : i32 to index
        %parallel_loop3A_172 = tpu.vector_load %arg7[%parallel_loop3A_169, %parallel_loop3A_170, %parallel_loop3A_171] {strides = array<i32>} : memref<2x32x1024xf32, #tpu.memory_space<vmem>>, vector<16xf32>,
        tpu.vector_store %arg7[%parallel_loop3A_169, %parallel_loop3A_170, %parallel_loop3A_171], %parallel_loop3A_165 {strides = array<i32>} : memref<2x32x1024xf32, #tpu.memory_space<vmem>>, vector<16xf32>,
        %parallel_loop3A_173 = arith.constant 9000 : i32
        %parallel_loop3A_174 = vector.broadcast %parallel_loop3A_173 : i32 to vector<16xi32>
        %parallel_loop3A_175 = arith.addi %parallel_loop3A_73, %parallel_loop3A_174 : vector<16xi32>
        %parallel_loop3A_176 = tpu.vector_load_idx %arg5[%parallel_loop3A_175] : memref<32000xf32, #tpu.memory_space<vmem>>[vector<16xi32>], vector<16xf32>,
        %parallel_loop3A_177 = arith.constant 16 : i32
        %parallel_loop3A_178 = arith.muli %parallel_loop3A_177, %parallel_loop3A_68 : i32
        %parallel_loop3A_179 = arith.constant 9 : i32
        %parallel_loop3A_180 = arith.index_cast %rem3A_36 : i32 to index
        %parallel_loop3A_181 = arith.index_cast %parallel_loop3A_179 : i32 to index
        %parallel_loop3A_182 = arith.index_cast %parallel_loop3A_178 : i32 to index
        %parallel_loop3A_183 = tpu.vector_load %arg7[%parallel_loop3A_180, %parallel_loop3A_181, %parallel_loop3A_182] {strides = array<i32>} : memref<2x32x1024xf32, #tpu.memory_space<vmem>>, vector<16xf32>,
        tpu.vector_store %arg7[%parallel_loop3A_180, %parallel_loop3A_181, %parallel_loop3A_182], %parallel_loop3A_176 {strides = array<i32>} : memref<2x32x1024xf32, #tpu.memory_space<vmem>>, vector<16xf32>,
        %parallel_loop3A_184 = arith.constant 10000 : i32
        %parallel_loop3A_185 = vector.broadcast %parallel_loop3A_184 : i32 to vector<16xi32>
        %parallel_loop3A_186 = arith.addi %parallel_loop3A_73, %parallel_loop3A_185 : vector<16xi32>
        %parallel_loop3A_187 = tpu.vector_load_idx %arg5[%parallel_loop3A_186] : memref<32000xf32, #tpu.memory_space<vmem>>[vector<16xi32>], vector<16xf32>,
        %parallel_loop3A_188 = arith.constant 16 : i32
        %parallel_loop3A_189 = arith.muli %parallel_loop3A_188, %parallel_loop3A_68 : i32
        %parallel_loop3A_190 = arith.constant 10 : i32
        %parallel_loop3A_191 = arith.index_cast %rem3A_36 : i32 to index
        %parallel_loop3A_192 = arith.index_cast %parallel_loop3A_190 : i32 to index
        %parallel_loop3A_193 = arith.index_cast %parallel_loop3A_189 : i32 to index
        %parallel_loop3A_194 = tpu.vector_load %arg7[%parallel_loop3A_191, %parallel_loop3A_192, %parallel_loop3A_193] {strides = array<i32>} : memref<2x32x1024xf32, #tpu.memory_space<vmem>>, vector<16xf32>,
        tpu.vector_store %arg7[%parallel_loop3A_191, %parallel_loop3A_192, %parallel_loop3A_193], %parallel_loop3A_187 {strides = array<i32>} : memref<2x32x1024xf32, #tpu.memory_space<vmem>>, vector<16xf32>,
        %parallel_loop3A_195 = arith.constant 11000 : i32
        %parallel_loop3A_196 = vector.broadcast %parallel_loop3A_195 : i32 to vector<16xi32>
        %parallel_loop3A_197 = arith.addi %parallel_loop3A_73, %parallel_loop3A_196 : vector<16xi32>
        %parallel_loop3A_198 = tpu.vector_load_idx %arg5[%parallel_loop3A_197] : memref<32000xf32, #tpu.memory_space<vmem>>[vector<16xi32>], vector<16xf32>,
        %parallel_loop3A_199 = arith.constant 16 : i32
        %parallel_loop3A_200 = arith.muli %parallel_loop3A_199, %parallel_loop3A_68 : i32
        %parallel_loop3A_201 = arith.constant 11 : i32
        %parallel_loop3A_202 = arith.index_cast %rem3A_36 : i32 to index
        %parallel_loop3A_203 = arith.index_cast %parallel_loop3A_201 : i32 to index
        %parallel_loop3A_204 = arith.index_cast %parallel_loop3A_200 : i32 to index
        %parallel_loop3A_205 = tpu.vector_load %arg7[%parallel_loop3A_202, %parallel_loop3A_203, %parallel_loop3A_204] {strides = array<i32>} : memref<2x32x1024xf32, #tpu.memory_space<vmem>>, vector<16xf32>,
        tpu.vector_store %arg7[%parallel_loop3A_202, %parallel_loop3A_203, %parallel_loop3A_204], %parallel_loop3A_198 {strides = array<i32>} : memref<2x32x1024xf32, #tpu.memory_space<vmem>>, vector<16xf32>,
        %parallel_loop3A_206 = arith.constant 12000 : i32
        %parallel_loop3A_207 = vector.broadcast %parallel_loop3A_206 : i32 to vector<16xi32>
        %parallel_loop3A_208 = arith.addi %parallel_loop3A_73, %parallel_loop3A_207 : vector<16xi32>
        %parallel_loop3A_209 = tpu.vector_load_idx %arg5[%parallel_loop3A_208] : memref<32000xf32, #tpu.memory_space<vmem>>[vector<16xi32>], vector<16xf32>,
        %parallel_loop3A_210 = arith.constant 16 : i32
        %parallel_loop3A_211 = arith.muli %parallel_loop3A_210, %parallel_loop3A_68 : i32
        %parallel_loop3A_212 = arith.constant 12 : i32
        %parallel_loop3A_213 = arith.index_cast %rem3A_36 : i32 to index
        %parallel_loop3A_214 = arith.index_cast %parallel_loop3A_212 : i32 to index
        %parallel_loop3A_215 = arith.index_cast %parallel_loop3A_211 : i32 to index
        %parallel_loop3A_216 = tpu.vector_load %arg7[%parallel_loop3A_213, %parallel_loop3A_214, %parallel_loop3A_215] {strides = array<i32>} : memref<2x32x1024xf32, #tpu.memory_space<vmem>>, vector<16xf32>,
        tpu.vector_store %arg7[%parallel_loop3A_213, %parallel_loop3A_214, %parallel_loop3A_215], %parallel_loop3A_209 {strides = array<i32>} : memref<2x32x1024xf32, #tpu.memory_space<vmem>>, vector<16xf32>,
        %parallel_loop3A_217 = arith.constant 13000 : i32
        %parallel_loop3A_218 = vector.broadcast %parallel_loop3A_217 : i32 to vector<16xi32>
        %parallel_loop3A_219 = arith.addi %parallel_loop3A_73, %parallel_loop3A_218 : vector<16xi32>
        %parallel_loop3A_220 = tpu.vector_load_idx %arg5[%parallel_loop3A_219] : memref<32000xf32, #tpu.memory_space<vmem>>[vector<16xi32>], vector<16xf32>,
        %parallel_loop3A_221 = arith.constant 16 : i32
        %parallel_loop3A_222 = arith.muli %parallel_loop3A_221, %parallel_loop3A_68 : i32
        %parallel_loop3A_223 = arith.constant 13 : i32
        %parallel_loop3A_224 = arith.index_cast %rem3A_36 : i32 to index
        %parallel_loop3A_225 = arith.index_cast %parallel_loop3A_223 : i32 to index
        %parallel_loop3A_226 = arith.index_cast %parallel_loop3A_222 : i32 to index
        %parallel_loop3A_227 = tpu.vector_load %arg7[%parallel_loop3A_224, %parallel_loop3A_225, %parallel_loop3A_226] {strides = array<i32>} : memref<2x32x1024xf32, #tpu.memory_space<vmem>>, vector<16xf32>,
        tpu.vector_store %arg7[%parallel_loop3A_224, %parallel_loop3A_225, %parallel_loop3A_226], %parallel_loop3A_220 {strides = array<i32>} : memref<2x32x1024xf32, #tpu.memory_space<vmem>>, vector<16xf32>,
        %parallel_loop3A_228 = arith.constant 14000 : i32
        %parallel_loop3A_229 = vector.broadcast %parallel_loop3A_228 : i32 to vector<16xi32>
        %parallel_loop3A_230 = arith.addi %parallel_loop3A_73, %parallel_loop3A_229 : vector<16xi32>
        %parallel_loop3A_231 = tpu.vector_load_idx %arg5[%parallel_loop3A_230] : memref<32000xf32, #tpu.memory_space<vmem>>[vector<16xi32>], vector<16xf32>,
        %parallel_loop3A_232 = arith.constant 16 : i32
        %parallel_loop3A_233 = arith.muli %parallel_loop3A_232, %parallel_loop3A_68 : i32
        %parallel_loop3A_234 = arith.constant 14 : i32
        %parallel_loop3A_235 = arith.index_cast %rem3A_36 : i32 to index
        %parallel_loop3A_236 = arith.index_cast %parallel_loop3A_234 : i32 to index
        %parallel_loop3A_237 = arith.index_cast %parallel_loop3A_233 : i32 to index
        %parallel_loop3A_238 = tpu.vector_load %arg7[%parallel_loop3A_235, %parallel_loop3A_236, %parallel_loop3A_237] {strides = array<i32>} : memref<2x32x1024xf32, #tpu.memory_space<vmem>>, vector<16xf32>,
        tpu.vector_store %arg7[%parallel_loop3A_235, %parallel_loop3A_236, %parallel_loop3A_237], %parallel_loop3A_231 {strides = array<i32>} : memref<2x32x1024xf32, #tpu.memory_space<vmem>>, vector<16xf32>,
        %parallel_loop3A_239 = arith.constant 15000 : i32
        %parallel_loop3A_240 = vector.broadcast %parallel_loop3A_239 : i32 to vector<16xi32>
        %parallel_loop3A_241 = arith.addi %parallel_loop3A_73, %parallel_loop3A_240 : vector<16xi32>
        %parallel_loop3A_242 = tpu.vector_load_idx %arg5[%parallel_loop3A_241] : memref<32000xf32, #tpu.memory_space<vmem>>[vector<16xi32>], vector<16xf32>,
        %parallel_loop3A_243 = arith.constant 16 : i32
        %parallel_loop3A_244 = arith.muli %parallel_loop3A_243, %parallel_loop3A_68 : i32
        %parallel_loop3A_245 = arith.constant 15 : i32
        %parallel_loop3A_246 = arith.index_cast %rem3A_36 : i32 to index
        %parallel_loop3A_247 = arith.index_cast %parallel_loop3A_245 : i32 to index
        %parallel_loop3A_248 = arith.index_cast %parallel_loop3A_244 : i32 to index
        %parallel_loop3A_249 = tpu.vector_load %arg7[%parallel_loop3A_246, %parallel_loop3A_247, %parallel_loop3A_248] {strides = array<i32>} : memref<2x32x1024xf32, #tpu.memory_space<vmem>>, vector<16xf32>,
        tpu.vector_store %arg7[%parallel_loop3A_246, %parallel_loop3A_247, %parallel_loop3A_248], %parallel_loop3A_242 {strides = array<i32>} : memref<2x32x1024xf32, #tpu.memory_space<vmem>>, vector<16xf32>,
        %parallel_loop3A_250 = arith.constant 16000 : i32
        %parallel_loop3A_251 = vector.broadcast %parallel_loop3A_250 : i32 to vector<16xi32>
        %parallel_loop3A_252 = arith.addi %parallel_loop3A_73, %parallel_loop3A_251 : vector<16xi32>
        %parallel_loop3A_253 = tpu.vector_load_idx %arg5[%parallel_loop3A_252] : memref<32000xf32, #tpu.memory_space<vmem>>[vector<16xi32>], vector<16xf32>,
        %parallel_loop3A_254 = arith.constant 16 : i32
        %parallel_loop3A_255 = arith.muli %parallel_loop3A_254, %parallel_loop3A_68 : i32
        %parallel_loop3A_256 = arith.constant 16 : i32
        %parallel_loop3A_257 = arith.index_cast %rem3A_36 : i32 to index
        %parallel_loop3A_258 = arith.index_cast %parallel_loop3A_256 : i32 to index
        %parallel_loop3A_259 = arith.index_cast %parallel_loop3A_255 : i32 to index
        %parallel_loop3A_260 = tpu.vector_load %arg7[%parallel_loop3A_257, %parallel_loop3A_258, %parallel_loop3A_259] {strides = array<i32>} : memref<2x32x1024xf32, #tpu.memory_space<vmem>>, vector<16xf32>,
        tpu.vector_store %arg7[%parallel_loop3A_257, %parallel_loop3A_258, %parallel_loop3A_259], %parallel_loop3A_253 {strides = array<i32>} : memref<2x32x1024xf32, #tpu.memory_space<vmem>>, vector<16xf32>,
        %parallel_loop3A_261 = arith.constant 17000 : i32
        %parallel_loop3A_262 = vector.broadcast %parallel_loop3A_261 : i32 to vector<16xi32>
        %parallel_loop3A_263 = arith.addi %parallel_loop3A_73, %parallel_loop3A_262 : vector<16xi32>
        %parallel_loop3A_264 = tpu.vector_load_idx %arg5[%parallel_loop3A_263] : memref<32000xf32, #tpu.memory_space<vmem>>[vector<16xi32>], vector<16xf32>,
        %parallel_loop3A_265 = arith.constant 16 : i32
        %parallel_loop3A_266 = arith.muli %parallel_loop3A_265, %parallel_loop3A_68 : i32
        %parallel_loop3A_267 = arith.constant 17 : i32
        %parallel_loop3A_268 = arith.index_cast %rem3A_36 : i32 to index
        %parallel_loop3A_269 = arith.index_cast %parallel_loop3A_267 : i32 to index
        %parallel_loop3A_270 = arith.index_cast %parallel_loop3A_266 : i32 to index
        %parallel_loop3A_271 = tpu.vector_load %arg7[%parallel_loop3A_268, %parallel_loop3A_269, %parallel_loop3A_270] {strides = array<i32>} : memref<2x32x1024xf32, #tpu.memory_space<vmem>>, vector<16xf32>,
        tpu.vector_store %arg7[%parallel_loop3A_268, %parallel_loop3A_269, %parallel_loop3A_270], %parallel_loop3A_264 {strides = array<i32>} : memref<2x32x1024xf32, #tpu.memory_space<vmem>>, vector<16xf32>,
        %parallel_loop3A_272 = arith.constant 18000 : i32
        %parallel_loop3A_273 = vector.broadcast %parallel_loop3A_272 : i32 to vector<16xi32>
        %parallel_loop3A_274 = arith.addi %parallel_loop3A_73, %parallel_loop3A_273 : vector<16xi32>
        %parallel_loop3A_275 = tpu.vector_load_idx %arg5[%parallel_loop3A_274] : memref<32000xf32, #tpu.memory_space<vmem>>[vector<16xi32>], vector<16xf32>,
        %parallel_loop3A_276 = arith.constant 16 : i32
        %parallel_loop3A_277 = arith.muli %parallel_loop3A_276, %parallel_loop3A_68 : i32
        %parallel_loop3A_278 = arith.constant 18 : i32
        %parallel_loop3A_279 = arith.index_cast %rem3A_36 : i32 to index
        %parallel_loop3A_280 = arith.index_cast %parallel_loop3A_278 : i32 to index
        %parallel_loop3A_281 = arith.index_cast %parallel_loop3A_277 : i32 to index
        %parallel_loop3A_282 = tpu.vector_load %arg7[%parallel_loop3A_279, %parallel_loop3A_280, %parallel_loop3A_281] {strides = array<i32>} : memref<2x32x1024xf32, #tpu.memory_space<vmem>>, vector<16xf32>,
        tpu.vector_store %arg7[%parallel_loop3A_279, %parallel_loop3A_280, %parallel_loop3A_281], %parallel_loop3A_275 {strides = array<i32>} : memref<2x32x1024xf32, #tpu.memory_space<vmem>>, vector<16xf32>,
        %parallel_loop3A_283 = arith.constant 19000 : i32
        %parallel_loop3A_284 = vector.broadcast %parallel_loop3A_283 : i32 to vector<16xi32>
        %parallel_loop3A_285 = arith.addi %parallel_loop3A_73, %parallel_loop3A_284 : vector<16xi32>
        %parallel_loop3A_286 = tpu.vector_load_idx %arg5[%parallel_loop3A_285] : memref<32000xf32, #tpu.memory_space<vmem>>[vector<16xi32>], vector<16xf32>,
        %parallel_loop3A_287 = arith.constant 16 : i32
        %parallel_loop3A_288 = arith.muli %parallel_loop3A_287, %parallel_loop3A_68 : i32
        %parallel_loop3A_289 = arith.constant 19 : i32
        %parallel_loop3A_290 = arith.index_cast %rem3A_36 : i32 to index
        %parallel_loop3A_291 = arith.index_cast %parallel_loop3A_289 : i32 to index
        %parallel_loop3A_292 = arith.index_cast %parallel_loop3A_288 : i32 to index
        %parallel_loop3A_293 = tpu.vector_load %arg7[%parallel_loop3A_290, %parallel_loop3A_291, %parallel_loop3A_292] {strides = array<i32>} : memref<2x32x1024xf32, #tpu.memory_space<vmem>>, vector<16xf32>,
        tpu.vector_store %arg7[%parallel_loop3A_290, %parallel_loop3A_291, %parallel_loop3A_292], %parallel_loop3A_286 {strides = array<i32>} : memref<2x32x1024xf32, #tpu.memory_space<vmem>>, vector<16xf32>,
        %parallel_loop3A_294 = arith.constant 20000 : i32
        %parallel_loop3A_295 = vector.broadcast %parallel_loop3A_294 : i32 to vector<16xi32>
        %parallel_loop3A_296 = arith.addi %parallel_loop3A_73, %parallel_loop3A_295 : vector<16xi32>
        %parallel_loop3A_297 = tpu.vector_load_idx %arg5[%parallel_loop3A_296] : memref<32000xf32, #tpu.memory_space<vmem>>[vector<16xi32>], vector<16xf32>,
        %parallel_loop3A_298 = arith.constant 16 : i32
        %parallel_loop3A_299 = arith.muli %parallel_loop3A_298, %parallel_loop3A_68 : i32
        %parallel_loop3A_300 = arith.constant 20 : i32
        %parallel_loop3A_301 = arith.index_cast %rem3A_36 : i32 to index
        %parallel_loop3A_302 = arith.index_cast %parallel_loop3A_300 : i32 to index
        %parallel_loop3A_303 = arith.index_cast %parallel_loop3A_299 : i32 to index
        %parallel_loop3A_304 = tpu.vector_load %arg7[%parallel_loop3A_301, %parallel_loop3A_302, %parallel_loop3A_303] {strides = array<i32>} : memref<2x32x1024xf32, #tpu.memory_space<vmem>>, vector<16xf32>,
        tpu.vector_store %arg7[%parallel_loop3A_301, %parallel_loop3A_302, %parallel_loop3A_303], %parallel_loop3A_297 {strides = array<i32>} : memref<2x32x1024xf32, #tpu.memory_space<vmem>>, vector<16xf32>,
        %parallel_loop3A_305 = arith.constant 21000 : i32
        %parallel_loop3A_306 = vector.broadcast %parallel_loop3A_305 : i32 to vector<16xi32>
        %parallel_loop3A_307 = arith.addi %parallel_loop3A_73, %parallel_loop3A_306 : vector<16xi32>
        %parallel_loop3A_308 = tpu.vector_load_idx %arg5[%parallel_loop3A_307] : memref<32000xf32, #tpu.memory_space<vmem>>[vector<16xi32>], vector<16xf32>,
        %parallel_loop3A_309 = arith.constant 16 : i32
        %parallel_loop3A_310 = arith.muli %parallel_loop3A_309, %parallel_loop3A_68 : i32
        %parallel_loop3A_311 = arith.constant 21 : i32
        %parallel_loop3A_312 = arith.index_cast %rem3A_36 : i32 to index
        %parallel_loop3A_313 = arith.index_cast %parallel_loop3A_311 : i32 to index
        %parallel_loop3A_314 = arith.index_cast %parallel_loop3A_310 : i32 to index
        %parallel_loop3A_315 = tpu.vector_load %arg7[%parallel_loop3A_312, %parallel_loop3A_313, %parallel_loop3A_314] {strides = array<i32>} : memref<2x32x1024xf32, #tpu.memory_space<vmem>>, vector<16xf32>,
        tpu.vector_store %arg7[%parallel_loop3A_312, %parallel_loop3A_313, %parallel_loop3A_314], %parallel_loop3A_308 {strides = array<i32>} : memref<2x32x1024xf32, #tpu.memory_space<vmem>>, vector<16xf32>,
        %parallel_loop3A_316 = arith.constant 22000 : i32
        %parallel_loop3A_317 = vector.broadcast %parallel_loop3A_316 : i32 to vector<16xi32>
        %parallel_loop3A_318 = arith.addi %parallel_loop3A_73, %parallel_loop3A_317 : vector<16xi32>
        %parallel_loop3A_319 = tpu.vector_load_idx %arg5[%parallel_loop3A_318] : memref<32000xf32, #tpu.memory_space<vmem>>[vector<16xi32>], vector<16xf32>,
        %parallel_loop3A_320 = arith.constant 16 : i32
        %parallel_loop3A_321 = arith.muli %parallel_loop3A_320, %parallel_loop3A_68 : i32
        %parallel_loop3A_322 = arith.constant 22 : i32
        %parallel_loop3A_323 = arith.index_cast %rem3A_36 : i32 to index
        %parallel_loop3A_324 = arith.index_cast %parallel_loop3A_322 : i32 to index
        %parallel_loop3A_325 = arith.index_cast %parallel_loop3A_321 : i32 to index
        %parallel_loop3A_326 = tpu.vector_load %arg7[%parallel_loop3A_323, %parallel_loop3A_324, %parallel_loop3A_325] {strides = array<i32>} : memref<2x32x1024xf32, #tpu.memory_space<vmem>>, vector<16xf32>,
        tpu.vector_store %arg7[%parallel_loop3A_323, %parallel_loop3A_324, %parallel_loop3A_325], %parallel_loop3A_319 {strides = array<i32>} : memref<2x32x1024xf32, #tpu.memory_space<vmem>>, vector<16xf32>,
        %parallel_loop3A_327 = arith.constant 23000 : i32
        %parallel_loop3A_328 = vector.broadcast %parallel_loop3A_327 : i32 to vector<16xi32>
        %parallel_loop3A_329 = arith.addi %parallel_loop3A_73, %parallel_loop3A_328 : vector<16xi32>
        %parallel_loop3A_330 = tpu.vector_load_idx %arg5[%parallel_loop3A_329] : memref<32000xf32, #tpu.memory_space<vmem>>[vector<16xi32>], vector<16xf32>,
        %parallel_loop3A_331 = arith.constant 16 : i32
        %parallel_loop3A_332 = arith.muli %parallel_loop3A_331, %parallel_loop3A_68 : i32
        %parallel_loop3A_333 = arith.constant 23 : i32
        %parallel_loop3A_334 = arith.index_cast %rem3A_36 : i32 to index
        %parallel_loop3A_335 = arith.index_cast %parallel_loop3A_333 : i32 to index
        %parallel_loop3A_336 = arith.index_cast %parallel_loop3A_332 : i32 to index
        %parallel_loop3A_337 = tpu.vector_load %arg7[%parallel_loop3A_334, %parallel_loop3A_335, %parallel_loop3A_336] {strides = array<i32>} : memref<2x32x1024xf32, #tpu.memory_space<vmem>>, vector<16xf32>,
        tpu.vector_store %arg7[%parallel_loop3A_334, %parallel_loop3A_335, %parallel_loop3A_336], %parallel_loop3A_330 {strides = array<i32>} : memref<2x32x1024xf32, #tpu.memory_space<vmem>>, vector<16xf32>,
        %parallel_loop3A_338 = arith.constant 24000 : i32
        %parallel_loop3A_339 = vector.broadcast %parallel_loop3A_338 : i32 to vector<16xi32>
        %parallel_loop3A_340 = arith.addi %parallel_loop3A_73, %parallel_loop3A_339 : vector<16xi32>
        %parallel_loop3A_341 = tpu.vector_load_idx %arg5[%parallel_loop3A_340] : memref<32000xf32, #tpu.memory_space<vmem>>[vector<16xi32>], vector<16xf32>,
        %parallel_loop3A_342 = arith.constant 16 : i32
        %parallel_loop3A_343 = arith.muli %parallel_loop3A_342, %parallel_loop3A_68 : i32
        %parallel_loop3A_344 = arith.constant 24 : i32
        %parallel_loop3A_345 = arith.index_cast %rem3A_36 : i32 to index
        %parallel_loop3A_346 = arith.index_cast %parallel_loop3A_344 : i32 to index
        %parallel_loop3A_347 = arith.index_cast %parallel_loop3A_343 : i32 to index
        %parallel_loop3A_348 = tpu.vector_load %arg7[%parallel_loop3A_345, %parallel_loop3A_346, %parallel_loop3A_347] {strides = array<i32>} : memref<2x32x1024xf32, #tpu.memory_space<vmem>>, vector<16xf32>,
        tpu.vector_store %arg7[%parallel_loop3A_345, %parallel_loop3A_346, %parallel_loop3A_347], %parallel_loop3A_341 {strides = array<i32>} : memref<2x32x1024xf32, #tpu.memory_space<vmem>>, vector<16xf32>,
        %parallel_loop3A_349 = arith.constant 25000 : i32
        %parallel_loop3A_350 = vector.broadcast %parallel_loop3A_349 : i32 to vector<16xi32>
        %parallel_loop3A_351 = arith.addi %parallel_loop3A_73, %parallel_loop3A_350 : vector<16xi32>
        %parallel_loop3A_352 = tpu.vector_load_idx %arg5[%parallel_loop3A_351] : memref<32000xf32, #tpu.memory_space<vmem>>[vector<16xi32>], vector<16xf32>,
        %parallel_loop3A_353 = arith.constant 16 : i32
        %parallel_loop3A_354 = arith.muli %parallel_loop3A_353, %parallel_loop3A_68 : i32
        %parallel_loop3A_355 = arith.constant 25 : i32
        %parallel_loop3A_356 = arith.index_cast %rem3A_36 : i32 to index
        %parallel_loop3A_357 = arith.index_cast %parallel_loop3A_355 : i32 to index
        %parallel_loop3A_358 = arith.index_cast %parallel_loop3A_354 : i32 to index
        %parallel_loop3A_359 = tpu.vector_load %arg7[%parallel_loop3A_356, %parallel_loop3A_357, %parallel_loop3A_358] {strides = array<i32>} : memref<2x32x1024xf32, #tpu.memory_space<vmem>>, vector<16xf32>,
        tpu.vector_store %arg7[%parallel_loop3A_356, %parallel_loop3A_357, %parallel_loop3A_358], %parallel_loop3A_352 {strides = array<i32>} : memref<2x32x1024xf32, #tpu.memory_space<vmem>>, vector<16xf32>,
        %parallel_loop3A_360 = arith.constant 26000 : i32
        %parallel_loop3A_361 = vector.broadcast %parallel_loop3A_360 : i32 to vector<16xi32>
        %parallel_loop3A_362 = arith.addi %parallel_loop3A_73, %parallel_loop3A_361 : vector<16xi32>
        %parallel_loop3A_363 = tpu.vector_load_idx %arg5[%parallel_loop3A_362] : memref<32000xf32, #tpu.memory_space<vmem>>[vector<16xi32>], vector<16xf32>,
        %parallel_loop3A_364 = arith.constant 16 : i32
        %parallel_loop3A_365 = arith.muli %parallel_loop3A_364, %parallel_loop3A_68 : i32
        %parallel_loop3A_366 = arith.constant 26 : i32
        %parallel_loop3A_367 = arith.index_cast %rem3A_36 : i32 to index
        %parallel_loop3A_368 = arith.index_cast %parallel_loop3A_366 : i32 to index
        %parallel_loop3A_369 = arith.index_cast %parallel_loop3A_365 : i32 to index
        %parallel_loop3A_370 = tpu.vector_load %arg7[%parallel_loop3A_367, %parallel_loop3A_368, %parallel_loop3A_369] {strides = array<i32>} : memref<2x32x1024xf32, #tpu.memory_space<vmem>>, vector<16xf32>,
        tpu.vector_store %arg7[%parallel_loop3A_367, %parallel_loop3A_368, %parallel_loop3A_369], %parallel_loop3A_363 {strides = array<i32>} : memref<2x32x1024xf32, #tpu.memory_space<vmem>>, vector<16xf32>,
        %parallel_loop3A_371 = arith.constant 27000 : i32
        %parallel_loop3A_372 = vector.broadcast %parallel_loop3A_371 : i32 to vector<16xi32>
        %parallel_loop3A_373 = arith.addi %parallel_loop3A_73, %parallel_loop3A_372 : vector<16xi32>
        %parallel_loop3A_374 = tpu.vector_load_idx %arg5[%parallel_loop3A_373] : memref<32000xf32, #tpu.memory_space<vmem>>[vector<16xi32>], vector<16xf32>,
        %parallel_loop3A_375 = arith.constant 16 : i32
        %parallel_loop3A_376 = arith.muli %parallel_loop3A_375, %parallel_loop3A_68 : i32
        %parallel_loop3A_377 = arith.constant 27 : i32
        %parallel_loop3A_378 = arith.index_cast %rem3A_36 : i32 to index
        %parallel_loop3A_379 = arith.index_cast %parallel_loop3A_377 : i32 to index
        %parallel_loop3A_380 = arith.index_cast %parallel_loop3A_376 : i32 to index
        %parallel_loop3A_381 = tpu.vector_load %arg7[%parallel_loop3A_378, %parallel_loop3A_379, %parallel_loop3A_380] {strides = array<i32>} : memref<2x32x1024xf32, #tpu.memory_space<vmem>>, vector<16xf32>,
        tpu.vector_store %arg7[%parallel_loop3A_378, %parallel_loop3A_379, %parallel_loop3A_380], %parallel_loop3A_374 {strides = array<i32>} : memref<2x32x1024xf32, #tpu.memory_space<vmem>>, vector<16xf32>,
        %parallel_loop3A_382 = arith.constant 28000 : i32
        %parallel_loop3A_383 = vector.broadcast %parallel_loop3A_382 : i32 to vector<16xi32>
        %parallel_loop3A_384 = arith.addi %parallel_loop3A_73, %parallel_loop3A_383 : vector<16xi32>
        %parallel_loop3A_385 = tpu.vector_load_idx %arg5[%parallel_loop3A_384] : memref<32000xf32, #tpu.memory_space<vmem>>[vector<16xi32>], vector<16xf32>,
        %parallel_loop3A_386 = arith.constant 16 : i32
        %parallel_loop3A_387 = arith.muli %parallel_loop3A_386, %parallel_loop3A_68 : i32
        %parallel_loop3A_388 = arith.constant 28 : i32
        %parallel_loop3A_389 = arith.index_cast %rem3A_36 : i32 to index
        %parallel_loop3A_390 = arith.index_cast %parallel_loop3A_388 : i32 to index
        %parallel_loop3A_391 = arith.index_cast %parallel_loop3A_387 : i32 to index
        %parallel_loop3A_392 = tpu.vector_load %arg7[%parallel_loop3A_389, %parallel_loop3A_390, %parallel_loop3A_391] {strides = array<i32>} : memref<2x32x1024xf32, #tpu.memory_space<vmem>>, vector<16xf32>,
        tpu.vector_store %arg7[%parallel_loop3A_389, %parallel_loop3A_390, %parallel_loop3A_391], %parallel_loop3A_385 {strides = array<i32>} : memref<2x32x1024xf32, #tpu.memory_space<vmem>>, vector<16xf32>,
        %parallel_loop3A_393 = arith.constant 29000 : i32
        %parallel_loop3A_394 = vector.broadcast %parallel_loop3A_393 : i32 to vector<16xi32>
        %parallel_loop3A_395 = arith.addi %parallel_loop3A_73, %parallel_loop3A_394 : vector<16xi32>
        %parallel_loop3A_396 = tpu.vector_load_idx %arg5[%parallel_loop3A_395] : memref<32000xf32, #tpu.memory_space<vmem>>[vector<16xi32>], vector<16xf32>,
        %parallel_loop3A_397 = arith.constant 16 : i32
        %parallel_loop3A_398 = arith.muli %parallel_loop3A_397, %parallel_loop3A_68 : i32
        %parallel_loop3A_399 = arith.constant 29 : i32
        %parallel_loop3A_400 = arith.index_cast %rem3A_36 : i32 to index
        %parallel_loop3A_401 = arith.index_cast %parallel_loop3A_399 : i32 to index
        %parallel_loop3A_402 = arith.index_cast %parallel_loop3A_398 : i32 to index
        %parallel_loop3A_403 = tpu.vector_load %arg7[%parallel_loop3A_400, %parallel_loop3A_401, %parallel_loop3A_402] {strides = array<i32>} : memref<2x32x1024xf32, #tpu.memory_space<vmem>>, vector<16xf32>,
        tpu.vector_store %arg7[%parallel_loop3A_400, %parallel_loop3A_401, %parallel_loop3A_402], %parallel_loop3A_396 {strides = array<i32>} : memref<2x32x1024xf32, #tpu.memory_space<vmem>>, vector<16xf32>,
        %parallel_loop3A_404 = arith.constant 30000 : i32
        %parallel_loop3A_405 = vector.broadcast %parallel_loop3A_404 : i32 to vector<16xi32>
        %parallel_loop3A_406 = arith.addi %parallel_loop3A_73, %parallel_loop3A_405 : vector<16xi32>
        %parallel_loop3A_407 = tpu.vector_load_idx %arg5[%parallel_loop3A_406] : memref<32000xf32, #tpu.memory_space<vmem>>[vector<16xi32>], vector<16xf32>,
        %parallel_loop3A_408 = arith.constant 16 : i32
        %parallel_loop3A_409 = arith.muli %parallel_loop3A_408, %parallel_loop3A_68 : i32
        %parallel_loop3A_410 = arith.constant 30 : i32
        %parallel_loop3A_411 = arith.index_cast %rem3A_36 : i32 to index
        %parallel_loop3A_412 = arith.index_cast %parallel_loop3A_410 : i32 to index
        %parallel_loop3A_413 = arith.index_cast %parallel_loop3A_409 : i32 to index
        %parallel_loop3A_414 = tpu.vector_load %arg7[%parallel_loop3A_411, %parallel_loop3A_412, %parallel_loop3A_413] {strides = array<i32>} : memref<2x32x1024xf32, #tpu.memory_space<vmem>>, vector<16xf32>,
        tpu.vector_store %arg7[%parallel_loop3A_411, %parallel_loop3A_412, %parallel_loop3A_413], %parallel_loop3A_407 {strides = array<i32>} : memref<2x32x1024xf32, #tpu.memory_space<vmem>>, vector<16xf32>,
        %parallel_loop3A_415 = arith.constant 31000 : i32
        %parallel_loop3A_416 = vector.broadcast %parallel_loop3A_415 : i32 to vector<16xi32>
        %parallel_loop3A_417 = arith.addi %parallel_loop3A_73, %parallel_loop3A_416 : vector<16xi32>
        %parallel_loop3A_418 = tpu.vector_load_idx %arg5[%parallel_loop3A_417] : memref<32000xf32, #tpu.memory_space<vmem>>[vector<16xi32>], vector<16xf32>,
        %parallel_loop3A_419 = arith.constant 16 : i32
        %parallel_loop3A_420 = arith.muli %parallel_loop3A_419, %parallel_loop3A_68 : i32
        %parallel_loop3A_421 = arith.constant 31 : i32
        %parallel_loop3A_422 = arith.index_cast %rem3A_36 : i32 to index
        %parallel_loop3A_423 = arith.index_cast %parallel_loop3A_421 : i32 to index
        %parallel_loop3A_424 = arith.index_cast %parallel_loop3A_420 : i32 to index
        %parallel_loop3A_425 = tpu.vector_load %arg7[%parallel_loop3A_422, %parallel_loop3A_423, %parallel_loop3A_424] {strides = array<i32>} : memref<2x32x1024xf32, #tpu.memory_space<vmem>>, vector<16xf32>,
        tpu.vector_store %arg7[%parallel_loop3A_422, %parallel_loop3A_423, %parallel_loop3A_424], %parallel_loop3A_418 {strides = array<i32>} : memref<2x32x1024xf32, #tpu.memory_space<vmem>>, vector<16xf32>,
      } {sc.loop_unroll_factor = 2 : i64, sc.parallel_access}
      %convert_element_type3A_60 = arith.extui %eq3A_3 : i1 to i32
      %cond3A_61 = arith.constant 0 : i32
      %cond3A_62 = arith.cmpi ne, %convert_element_type3A_60, %cond3A_61 : i32
      scf.if %cond3A_62 {
        %dma_start3A_68 = arith.constant 0 : i32
        %dma_start3A_69 = arith.constant 0 : i32
        %dma_start3A_70 = tpu.memref_slice %arg7[%rem3A_36, %dma_start3A_68, %dma_start3A_69] : memref<2x32x1024xf32, #tpu.memory_space<vmem>> -> memref<1x8x1024xf32, #tpu.memory_space<vmem>>
        %dma_start3A_71 = tpu.memref_squeeze %dma_start3A_70 : memref<1x8x1024xf32, #tpu.memory_space<vmem>> -> memref<8x1024xf32, #tpu.memory_space<vmem>>
        %dma_start3A_72 = arith.constant 0 : i32
        %dma_start3A_73 = tpu.memref_slice %arg4[%scan3A_35, %mul3A_2, %dma_start3A_72] : memref<50x1000x1024xf32, #tpu.memory_space<hbm>> -> memref<1x8x1024xf32, #tpu.memory_space<hbm>>
        %dma_start3A_74 = tpu.memref_squeeze %dma_start3A_73 : memref<1x8x1024xf32, #tpu.memory_space<hbm>> -> memref<8x1024xf32, #tpu.memory_space<hbm>>
        %dma_start3A_75 = arith.constant 0 : i32
        %dma_start3A_76 = tpu.memref_slice %arg4[%scan3A_35, %mul3A_2, %dma_start3A_75] : memref<50x1000x1024xf32, #tpu.memory_space<hbm>> -> memref<1x8x1024xf32, #tpu.memory_space<hbm>>
        %dma_start3A_77 = tpu.memref_squeeze %dma_start3A_76 : memref<1x8x1024xf32, #tpu.memory_space<hbm>> -> memref<8x1024xf32, #tpu.memory_space<hbm>>
        %dma_start3A_78 = arith.constant 0 : i32
        %dma_start3A_79 = arith.constant 0 : i32
        %dma_start3A_80 = tpu.memref_slice %arg7[%rem3A_36, %dma_start3A_78, %dma_start3A_79] : memref<2x32x1024xf32, #tpu.memory_space<vmem>> -> memref<1x8x1024xf32, #tpu.memory_space<vmem>>
        %dma_start3A_81 = tpu.memref_squeeze %dma_start3A_80 : memref<1x8x1024xf32, #tpu.memory_space<vmem>> -> memref<8x1024xf32, #tpu.memory_space<vmem>>
        tpu.enqueue_dma source(%dma_start3A_81 : memref<8x1024xf32, #tpu.memory_space<vmem>>) target(%dma_start3A_77 : memref<8x1024xf32, #tpu.memory_space<hbm>>) target_semaphore(%arg9 : memref<!tpu.dma_semaphore, #tpu.memory_space<semaphore_mem>>)
      } else {
      }
      %not3A_63 = arith.constant true
      %not3A_64 = arith.xori %eq3A_3, %not3A_63 : i1
      %convert_element_type3A_65 = arith.extui %not3A_64 : i1 to i32
      %cond3A_66 = arith.constant 0 : i32
      %cond3A_67 = arith.cmpi ne, %convert_element_type3A_65, %cond3A_66 : i32
      scf.if %cond3A_67 {
        %dma_start3A_68 = arith.constant 0 : i32
        %dma_start3A_69 = arith.constant 0 : i32
        %dma_start3A_70 = tpu.memref_slice %arg7[%rem3A_36, %dma_start3A_68, %dma_start3A_69] : memref<2x32x1024xf32, #tpu.memory_space<vmem>> -> memref<1x32x1024xf32, #tpu.memory_space<vmem>>
        %dma_start3A_71 = tpu.memref_squeeze %dma_start3A_70 : memref<1x32x1024xf32, #tpu.memory_space<vmem>> -> memref<32x1024xf32, #tpu.memory_space<vmem>>
        %dma_start3A_72 = arith.constant 0 : i32
        %dma_start3A_73 = tpu.memref_slice %arg4[%scan3A_35, %mul3A_2, %dma_start3A_72] : memref<50x1000x1024xf32, #tpu.memory_space<hbm>> -> memref<1x32x1024xf32, #tpu.memory_space<hbm>>
        %dma_start3A_74 = tpu.memref_squeeze %dma_start3A_73 : memref<1x32x1024xf32, #tpu.memory_space<hbm>> -> memref<32x1024xf32, #tpu.memory_space<hbm>>
        %dma_start3A_75 = arith.constant 0 : i32
        %dma_start3A_76 = tpu.memref_slice %arg4[%scan3A_35, %mul3A_2, %dma_start3A_75] : memref<50x1000x1024xf32, #tpu.memory_space<hbm>> -> memref<1x32x1024xf32, #tpu.memory_space<hbm>>
        %dma_start3A_77 = tpu.memref_squeeze %dma_start3A_76 : memref<1x32x1024xf32, #tpu.memory_space<hbm>> -> memref<32x1024xf32, #tpu.memory_space<hbm>>
        %dma_start3A_78 = arith.constant 0 : i32
        %dma_start3A_79 = arith.constant 0 : i32
        %dma_start3A_80 = tpu.memref_slice %arg7[%rem3A_36, %dma_start3A_78, %dma_start3A_79] : memref<2x32x1024xf32, #tpu.memory_space<vmem>> -> memref<1x32x1024xf32, #tpu.memory_space<vmem>>
        %dma_start3A_81 = tpu.memref_squeeze %dma_start3A_80 : memref<1x32x1024xf32, #tpu.memory_space<vmem>> -> memref<32x1024xf32, #tpu.memory_space<vmem>>
        tpu.enqueue_dma source(%dma_start3A_81 : memref<32x1024xf32, #tpu.memory_space<vmem>>) target(%dma_start3A_77 : memref<32x1024xf32, #tpu.memory_space<hbm>>) target_semaphore(%arg9 : memref<!tpu.dma_semaphore, #tpu.memory_space<semaphore_mem>>)
      } else {
      }
    }
    %scan3A_26 = arith.constant 50 : i32
    %convert_element_type3A_27 = arith.extui %eq3A_3 : i1 to i32
    %cond3A_28 = arith.constant 0 : i32
    %cond3A_29 = arith.cmpi ne, %convert_element_type3A_27, %cond3A_28 : i32
    scf.if %cond3A_29 {
      %dma_wait3A = arith.constant 0 : i32
      %dma_wait3A_35 = arith.constant 48 : i32
      %dma_wait3A_36 = arith.constant 0 : i32
      %dma_wait3A_37 = arith.constant 0 : i32
      %dma_wait3A_38 = tpu.memref_slice %arg7[%dma_wait3A, %dma_wait3A_36, %dma_wait3A_37] : memref<2x32x1024xf32, #tpu.memory_space<vmem>> -> memref<1x8x1024xf32, #tpu.memory_space<vmem>>
      %dma_wait3A_39 = tpu.memref_squeeze %dma_wait3A_38 : memref<1x8x1024xf32, #tpu.memory_space<vmem>> -> memref<8x1024xf32, #tpu.memory_space<vmem>>
      %dma_wait3A_40 = arith.constant 0 : i32
      %dma_wait3A_41 = tpu.memref_slice %arg4[%dma_wait3A_35, %mul3A_2, %dma_wait3A_40] : memref<50x1000x1024xf32, #tpu.memory_space<hbm>> -> memref<1x8x1024xf32, #tpu.memory_space<hbm>>
      %dma_wait3A_42 = tpu.memref_squeeze %dma_wait3A_41 : memref<1x8x1024xf32, #tpu.memory_space<hbm>> -> memref<8x1024xf32, #tpu.memory_space<hbm>>
      %dma_wait3A_43 = arith.constant 0 : i32
      %dma_wait3A_44 = tpu.memref_slice %arg4[%dma_wait3A_35, %mul3A_2, %dma_wait3A_43] : memref<50x1000x1024xf32, #tpu.memory_space<hbm>> -> memref<1x8x1024xf32, #tpu.memory_space<hbm>>
      %dma_wait3A_45 = tpu.memref_squeeze %dma_wait3A_44 : memref<1x8x1024xf32, #tpu.memory_space<hbm>> -> memref<8x1024xf32, #tpu.memory_space<hbm>>
      %dma_wait3A_46 = arith.constant 0 : i32
      %dma_wait3A_47 = arith.constant 0 : i32
      %dma_wait3A_48 = tpu.memref_slice %arg7[%dma_wait3A, %dma_wait3A_46, %dma_wait3A_47] : memref<2x32x1024xf32, #tpu.memory_space<vmem>> -> memref<1x8x1024xf32, #tpu.memory_space<vmem>>
      %dma_wait3A_49 = tpu.memref_squeeze %dma_wait3A_48 : memref<1x8x1024xf32, #tpu.memory_space<vmem>> -> memref<8x1024xf32, #tpu.memory_space<vmem>>
      tpu.wait_dma2 semaphore(%arg9 : memref<!tpu.dma_semaphore, #tpu.memory_space<semaphore_mem>>) src(%dma_wait3A_49 : memref<8x1024xf32, #tpu.memory_space<vmem>>) dst(%dma_wait3A_45 : memref<8x1024xf32, #tpu.memory_space<hbm>>)
      %dma_wait3A_50 = arith.constant 1 : i32
      %dma_wait3A_51 = arith.constant 49 : i32
      %dma_wait3A_52 = arith.constant 0 : i32
      %dma_wait3A_53 = arith.constant 0 : i32
      %dma_wait3A_54 = tpu.memref_slice %arg7[%dma_wait3A_50, %dma_wait3A_52, %dma_wait3A_53] : memref<2x32x1024xf32, #tpu.memory_space<vmem>> -> memref<1x8x1024xf32, #tpu.memory_space<vmem>>
      %dma_wait3A_55 = tpu.memref_squeeze %dma_wait3A_54 : memref<1x8x1024xf32, #tpu.memory_space<vmem>> -> memref<8x1024xf32, #tpu.memory_space<vmem>>
      %dma_wait3A_56 = arith.constant 0 : i32
      %dma_wait3A_57 = tpu.memref_slice %arg4[%dma_wait3A_51, %mul3A_2, %dma_wait3A_56] : memref<50x1000x1024xf32, #tpu.memory_space<hbm>> -> memref<1x8x1024xf32, #tpu.memory_space<hbm>>
      %dma_wait3A_58 = tpu.memref_squeeze %dma_wait3A_57 : memref<1x8x1024xf32, #tpu.memory_space<hbm>> -> memref<8x1024xf32, #tpu.memory_space<hbm>>
      %dma_wait3A_59 = arith.constant 0 : i32
      %dma_wait3A_60 = tpu.memref_slice %arg4[%dma_wait3A_51, %mul3A_2, %dma_wait3A_59] : memref<50x1000x1024xf32, #tpu.memory_space<hbm>> -> memref<1x8x1024xf32, #tpu.memory_space<hbm>>
      %dma_wait3A_61 = tpu.memref_squeeze %dma_wait3A_60 : memref<1x8x1024xf32, #tpu.memory_space<hbm>> -> memref<8x1024xf32, #tpu.memory_space<hbm>>
      %dma_wait3A_62 = arith.constant 0 : i32
      %dma_wait3A_63 = arith.constant 0 : i32
      %dma_wait3A_64 = tpu.memref_slice %arg7[%dma_wait3A_50, %dma_wait3A_62, %dma_wait3A_63] : memref<2x32x1024xf32, #tpu.memory_space<vmem>> -> memref<1x8x1024xf32, #tpu.memory_space<vmem>>
      %dma_wait3A_65 = tpu.memref_squeeze %dma_wait3A_64 : memref<1x8x1024xf32, #tpu.memory_space<vmem>> -> memref<8x1024xf32, #tpu.memory_space<vmem>>
      tpu.wait_dma2 semaphore(%arg9 : memref<!tpu.dma_semaphore, #tpu.memory_space<semaphore_mem>>) src(%dma_wait3A_65 : memref<8x1024xf32, #tpu.memory_space<vmem>>) dst(%dma_wait3A_61 : memref<8x1024xf32, #tpu.memory_space<hbm>>)
    } else {
    }
    %not3A_30 = arith.constant true
    %not3A_31 = arith.xori %eq3A_3, %not3A_30 : i1
    %convert_element_type3A_32 = arith.extui %not3A_31 : i1 to i32
    %cond3A_33 = arith.constant 0 : i32
    %cond3A_34 = arith.cmpi ne, %convert_element_type3A_32, %cond3A_33 : i32
    scf.if %cond3A_34 {
      %dma_wait3A = arith.constant 0 : i32
      %dma_wait3A_35 = arith.constant 48 : i32
      %dma_wait3A_36 = arith.constant 0 : i32
      %dma_wait3A_37 = arith.constant 0 : i32
      %dma_wait3A_38 = tpu.memref_slice %arg7[%dma_wait3A, %dma_wait3A_36, %dma_wait3A_37] : memref<2x32x1024xf32, #tpu.memory_space<vmem>> -> memref<1x32x1024xf32, #tpu.memory_space<vmem>>
      %dma_wait3A_39 = tpu.memref_squeeze %dma_wait3A_38 : memref<1x32x1024xf32, #tpu.memory_space<vmem>> -> memref<32x1024xf32, #tpu.memory_space<vmem>>
      %dma_wait3A_40 = arith.constant 0 : i32
      %dma_wait3A_41 = tpu.memref_slice %arg4[%dma_wait3A_35, %mul3A_2, %dma_wait3A_40] : memref<50x1000x1024xf32, #tpu.memory_space<hbm>> -> memref<1x32x1024xf32, #tpu.memory_space<hbm>>
      %dma_wait3A_42 = tpu.memref_squeeze %dma_wait3A_41 : memref<1x32x1024xf32, #tpu.memory_space<hbm>> -> memref<32x1024xf32, #tpu.memory_space<hbm>>
      %dma_wait3A_43 = arith.constant 0 : i32
      %dma_wait3A_44 = tpu.memref_slice %arg4[%dma_wait3A_35, %mul3A_2, %dma_wait3A_43] : memref<50x1000x1024xf32, #tpu.memory_space<hbm>> -> memref<1x32x1024xf32, #tpu.memory_space<hbm>>
      %dma_wait3A_45 = tpu.memref_squeeze %dma_wait3A_44 : memref<1x32x1024xf32, #tpu.memory_space<hbm>> -> memref<32x1024xf32, #tpu.memory_space<hbm>>
      %dma_wait3A_46 = arith.constant 0 : i32
      %dma_wait3A_47 = arith.constant 0 : i32
      %dma_wait3A_48 = tpu.memref_slice %arg7[%dma_wait3A, %dma_wait3A_46, %dma_wait3A_47] : memref<2x32x1024xf32, #tpu.memory_space<vmem>> -> memref<1x32x1024xf32, #tpu.memory_space<vmem>>
      %dma_wait3A_49 = tpu.memref_squeeze %dma_wait3A_48 : memref<1x32x1024xf32, #tpu.memory_space<vmem>> -> memref<32x1024xf32, #tpu.memory_space<vmem>>
      tpu.wait_dma2 semaphore(%arg9 : memref<!tpu.dma_semaphore, #tpu.memory_space<semaphore_mem>>) src(%dma_wait3A_49 : memref<32x1024xf32, #tpu.memory_space<vmem>>) dst(%dma_wait3A_45 : memref<32x1024xf32, #tpu.memory_space<hbm>>)
      %dma_wait3A_50 = arith.constant 1 : i32
      %dma_wait3A_51 = arith.constant 49 : i32
      %dma_wait3A_52 = arith.constant 0 : i32
      %dma_wait3A_53 = arith.constant 0 : i32
      %dma_wait3A_54 = tpu.memref_slice %arg7[%dma_wait3A_50, %dma_wait3A_52, %dma_wait3A_53] : memref<2x32x1024xf32, #tpu.memory_space<vmem>> -> memref<1x32x1024xf32, #tpu.memory_space<vmem>>
      %dma_wait3A_55 = tpu.memref_squeeze %dma_wait3A_54 : memref<1x32x1024xf32, #tpu.memory_space<vmem>> -> memref<32x1024xf32, #tpu.memory_space<vmem>>
      %dma_wait3A_56 = arith.constant 0 : i32
      %dma_wait3A_57 = tpu.memref_slice %arg4[%dma_wait3A_51, %mul3A_2, %dma_wait3A_56] : memref<50x1000x1024xf32, #tpu.memory_space<hbm>> -> memref<1x32x1024xf32, #tpu.memory_space<hbm>>
      %dma_wait3A_58 = tpu.memref_squeeze %dma_wait3A_57 : memref<1x32x1024xf32, #tpu.memory_space<hbm>> -> memref<32x1024xf32, #tpu.memory_space<hbm>>
      %dma_wait3A_59 = arith.constant 0 : i32
      %dma_wait3A_60 = tpu.memref_slice %arg4[%dma_wait3A_51, %mul3A_2, %dma_wait3A_59] : memref<50x1000x1024xf32, #tpu.memory_space<hbm>> -> memref<1x32x1024xf32, #tpu.memory_space<hbm>>
      %dma_wait3A_61 = tpu.memref_squeeze %dma_wait3A_60 : memref<1x32x1024xf32, #tpu.memory_space<hbm>> -> memref<32x1024xf32, #tpu.memory_space<hbm>>
      %dma_wait3A_62 = arith.constant 0 : i32
      %dma_wait3A_63 = arith.constant 0 : i32
      %dma_wait3A_64 = tpu.memref_slice %arg7[%dma_wait3A_50, %dma_wait3A_62, %dma_wait3A_63] : memref<2x32x1024xf32, #tpu.memory_space<vmem>> -> memref<1x32x1024xf32, #tpu.memory_space<vmem>>
      %dma_wait3A_65 = tpu.memref_squeeze %dma_wait3A_64 : memref<1x32x1024xf32, #tpu.memory_space<vmem>> -> memref<32x1024xf32, #tpu.memory_space<vmem>>
      tpu.wait_dma2 semaphore(%arg9 : memref<!tpu.dma_semaphore, #tpu.memory_space<semaphore_mem>>) src(%dma_wait3A_65 : memref<32x1024xf32, #tpu.memory_space<vmem>>) dst(%dma_wait3A_61 : memref<32x1024xf32, #tpu.memory_space<hbm>>)
    } else {
    }
    return
  }
}

</mosaic_0001>

<sc_bundles>
// kernel: kernel.3.cloned.1.call-start
scs
__scs_entry_jumppad:
0x0: {  	(pc) =	sbr.rel $0x88, $3  }
0x1: {  	(tag) =	ssettag $0x0;
	lr =	simm.s32 $0x1  }
0x2: {  	[smem:$0x3F9F] =	sst lr;
	_ =	strace $0xD0000000  }
0x3: {  	_ = 	snop  }
0x4: {  	_ = 	snop  }
0x5: {  	_ = 	snop  }
0x6: {  	_ = 	snop  }
0x7: {  	_ = 	snop  }
__scs_overlays_trampoline_lowered:
0x8: {  	[smem:$0x3FAE] =	sst s0  }
0x9: {  	[smem:$0x3FAF] =	sst s1  }
0xa: {  	[smem:$0x3FB0] =	sst s2  }
0xb: {  	[smem:$0x3FB1] =	sst s3  }
0xc: {  	[smem:$0x3FB2] =	sst s4  }
0xd: {  	[smem:$0x3FB3] =	sst s5  }
0xe: {  	[smem:$0x3FB4] =	sst s6  }
0xf: {  	[smem:$0x3FB5] =	sst s7  }
0x10: {  	[smem:$0x3FB6] =	sst s8  }
0x11: {  	[smem:$0x3FB7] =	sst s9;
	s0 =	simm.s32 @!p0 $0x0  }
0x12: {  	s1 =	sld [smem:$0x3F9D];
	s0 =	simm.s32 @p0 $0x1  }
0x13: {  	[smem:$0x3FB8] =	sst s0;
	s0 =	simm.s32 @!p1 $0x0  }
0x14: {  	s2 =	sld [smem:$0x3F9C];
	s0 =	simm.s32 @p1 $0x1  }
0x15: {  	[smem:$0x3FB9] =	sst s0;
	s0 =	simm.s32 @!p2 $0x0  }
0x16: {  	s3 =	sld [smem:$0x3FDB];
	s0 =	simm.s32 @p2 $0x1  }
0x17: {  	s4 =	simm.s32 $0x1BF5;
	[smem:$0x3FBB] =	sst s0  }
0x18: {  	s0 =	sld [smem:$0x3F9E];
	_ =	swait.ge [sflag:s4], $0x0  }
0x19: {  	s7 =	sld [smem:$0x3F9F]  }
0x1a: {  	s8 =	sadd.s32 $0xFFFFE003, lr  }
0x1b: {  	s9 =	sadd.s32 $0xFFFFFEF7, lr;
	s5 =	simm.s32 $0xFFFFFFFF;
	p2 =	slt.u32 s8, $0xFFFFF086  }
0x1c: {  	p1 =	slt.u32 s9, $0xF7A;
	s5 =	simm.s32 @!p2 $0x0  }
0x1d: {  	s5 =	simm.s32 @p1 $0x1;
	p0 =	seq.s32 s7, s2  }
0x1e: {  	s7 =	smul.u32 @!p0 $0xF7A, s2;
	p2 =	seq.s32 @!p0 s5, $0x0  }
0x1f: {  	s9 =	smul.u32 $0xF7A, s1;
	s8 =	simm.s32 @!p0 $0x1BF5;
	p2 =	por !p2, p0  }
0x20: {  	[sflag:s8] =	ssyncset.s32 @!p0 $0xFFFFF086;
	s6 =	sadd.s32 @!p0 s3, s7;
	s7 =	simm.s32 @!p0 $0x108  }
0x21: {  	s3 =	sadd.s32 s3, s9;
	s6 =	sadd.s32 @!p0 $0x88, s6;
	s7 =	simm.s32 @p2 $0x1082  }
0x22: {  	[simem:s7], [sflag:s8] =	dma.local @!p0 [hbm:s6], $0xF7A  }
0x23: {  	s9 =	sor.u32 $0xD0000000, s2;
	s6 =	simm.s32 $0x108;
	_ =	swait.ge @!p0 [sflag:s8], $0x0  }
0x24: {  	s3 =	sadd.s32 $0x88, s3;
	s6 =	simm.s32 @!p1 $0x1082;
	[sflag:s4] =	ssyncset.s32 $0xFFFFF086  }
0x25: {  	[simem:s6], [sflag:s4] =	dma.local [hbm:s3], $0xF7A  }
0x26: {  	[smem:$0x3F9F] =	sst s1;
	(tag) =	ssettag s2;
	_ =	strace s9  }
0x27: {  	s1 =	sld [smem:$0x3FAF]  }
0x28: {  	s2 =	sld [smem:$0x3FB0]  }
0x29: {  	s4 =	sld [smem:$0x3FB2]  }
0x2a: {  	p0 =	seq.s32 s5, $0x0;
	s5 =	sld [smem:$0x3FB3]  }
0x2b: {  	s6 =	sld [smem:$0x3FB4]  }
0x2c: {  	s7 =	sld [smem:$0x3FB5]  }
0x2d: {  	s3 =	simm.s32 $0x108;
	s8 =	sld [smem:$0x3FB6]  }
0x2e: {  	s3 =	simm.s32 @!p0 $0x1082;
	s9 =	sld [smem:$0x3FB7]  }
0x2f: {  	lr =	sadd.s32 s0, s3;
	s0 =	sld [smem:$0x3FAE]  }
0x30: {  	s3 =	sld [smem:$0x3FB1]  }
0x31: {  	[smem:$0x3FBA] =	sst s10  }
0x32: {  	s10 =	sld [smem:$0x3FB8];
	_ =	sdelay $0x3  }
0x33: {  	p0 =	seq.s32 s10, $0x1;
	s10 =	sld [smem:$0x3FBA];
	_ =	sdelay $0x3  }
0x34: {  	[smem:$0x3FBA] =	sst s10  }
0x35: {  	s10 =	sld [smem:$0x3FB9];
	_ =	sdelay $0x3  }
0x36: {  	p1 =	seq.s32 s10, $0x1;
	s10 =	sld [smem:$0x3FBA];
	_ =	sdelay $0x3  }
0x37: {  	[smem:$0x3FBA] =	sst s10  }
0x38: {  	s10 =	sld [smem:$0x3FBB]  }
0x39: {  	_ = 	snop;
	(pc) =	sbr.ind lr, $3  }
0x3a: {  	_ = 	snop  }
0x3b: {  	_ = 	snop  }
0x3c: {  	p2 =	seq.s32 s10, $0x1;
	s10 =	sld [smem:$0x3FBA]  }
0x3d: {  	_ =	shalt  }
0x3e: {  	_ =	shalt  }
0x3f: {  	_ =	shalt  }
0x40: {  	_ =	shalt  }
0x41: {  	_ =	shalt  }
0x42: {  	_ =	shalt  }
0x43: {  	_ =	shalt  }
0x44: {  	_ =	shalt  }
0x45: {  	_ =	shalt  }
0x46: {  	_ =	shalt  }
0x47: {  	_ =	shalt  }
0x48: {  	_ =	shalt  }
0x49: {  	_ =	shalt  }
0x4a: {  	_ =	shalt  }
0x4b: {  	_ =	shalt  }
0x4c: {  	_ =	shalt  }
0x4d: {  	_ =	shalt  }
0x4e: {  	_ =	shalt  }
0x4f: {  	_ =	shalt  }
0x50: {  	_ =	shalt  }
0x51: {  	_ =	shalt  }
0x52: {  	_ =	shalt  }
0x53: {  	_ =	shalt  }
0x54: {  	_ =	shalt  }
0x55: {  	_ =	shalt  }
0x56: {  	_ =	shalt  }
0x57: {  	_ =	shalt  }
0x58: {  	_ =	shalt  }
0x59: {  	_ =	shalt  }
0x5a: {  	_ =	shalt  }
0x5b: {  	_ =	shalt  }
0x5c: {  	_ =	shalt  }
0x5d: {  	_ =	shalt  }
0x5e: {  	_ =	shalt  }
0x5f: {  	_ =	shalt  }
0x60: {  	_ =	shalt  }
0x61: {  	_ =	shalt  }
0x62: {  	_ =	shalt  }
0x63: {  	_ =	shalt  }
0x64: {  	_ =	shalt  }
0x65: {  	_ =	shalt  }
0x66: {  	_ =	shalt  }
0x67: {  	_ =	shalt  }
0x68: {  	_ =	shalt  }
0x69: {  	_ =	shalt  }
0x6a: {  	_ =	shalt  }
0x6b: {  	_ =	shalt  }
0x6c: {  	_ =	shalt  }
0x6d: {  	_ =	shalt  }
0x6e: {  	_ =	shalt  }
0x6f: {  	_ =	shalt  }
0x70: {  	_ =	shalt  }
0x71: {  	_ =	shalt  }
0x72: {  	_ =	shalt  }
0x73: {  	_ =	shalt  }
0x74: {  	_ =	shalt  }
0x75: {  	_ =	shalt  }
0x76: {  	_ =	shalt  }
0x77: {  	_ =	shalt  }
0x78: {  	_ =	shalt  }
0x79: {  	_ =	shalt  }
0x7a: {  	_ =	shalt  }
0x7b: {  	_ =	shalt  }
0x7c: {  	_ =	shalt  }
0x7d: {  	_ =	shalt  }
0x7e: {  	_ =	shalt  }
0x7f: {  	_ =	shalt  }
0x80: {  	_ =	shalt  }
0x81: {  	_ =	shalt  }
0x82: {  	_ =	shalt  }
0x83: {  	_ =	shalt  }
0x84: {  	_ =	shalt  }
0x85: {  	_ =	shalt  }
0x86: {  	_ =	shalt  }
0x87: {  	_ =	shalt  }
.Lfunc_end0:
.L_simem_size_0:
called_computation_lowered:
.L_overlay_start_0:
0x88: {  	s2 =	sld [smem:$0x3FD9]  }
0x89: {  	s3 =	sld [smem:$0x3FFE];
	_ =	sdelay $0x1  }
0x8a: {  	s1 =	srdreg.scid  }
0x8b: {  	s0 =	sand.u32 $0x1, s1  }
0x8c: {  	s17 =	sshll.u32 s0, $0xA;
	s2 =	sadd.s32 s3, s2  }
0x8d: {  	s2 =	sadd.s32 s2, s17  }
0x8e: {  	[smem:$0x3FC6] =	sst s2  }
0x8f: {  	_ = 	snop  }
0x90: {  	s2 =	sld [smem:$0x3FC9]  }
0x91: {  	s18 =	sld [smem:$0x3FD0];
	(tm) =	ssettm $0x1  }
0x92: {  	s4 =	sld [smem:$0x3FFB];
	_ =	sdelay $0x3  }
0x93: {  	_ =	strace s4  }
0x94: {  	s4 =	sld [smem:$0x3FFC];
	_ =	sdelay $0x3  }
0x95: {  	_ =	strace s4  }
0x96: {  	s4 =	sld [smem:$0x3FFD];
	_ =	sdelay $0x3  }
0x97: {  	_ =	strace s4  }
0x98: {  	_ =	strace $0x8FFFFFFF  }
0x99: {  	s19 =	sld [smem:$0x3FDB];
	_ =	sdelay $0x1  }
0x9a: {  	s5 =	simm.s32 $_scs_section_size  }
0x9b: {  	s6 =	simm.s32 $_size__tile_overlayer_lowered;
	s7 =	simm.s32 $_tile_overlayer_lowered  }
0x9c: {  	s22 =	simm.s32 $0x1BFF;
	s21 =	sshll.u32 s7, $0x1;
	s4 =	sadd.s32 s5, s19  }
0x9d: {  	s8 =	simm.s32 $0x0;
	s20 =	sshll.u32 s6, $0x1;
	s6 =	sadd.s32 s21, s4  }
0x9e: {  	[timem:s8], [sflag:s22] =	dma.local [hbm:s6], s20  }
0x9f: {  	_ =	swait.ge [sflag:s22], s20  }
0xa0: {  	s5 =	ssub.s32 $0x0, s20;
	[sflag:s22] =	ssyncset.done $0x0  }
0xa1: {  	[sflag:s22] =	ssyncadd.s32 s5;
	_ =	sdelay $0x1  }
0xa2: {  	s23 =	simm.s32 $0x1B8B  }
0xa3: {  	_ =	swait.ge [sflag:s23], $0x1  }
0xa4: {  	[sflag:s23] =	ssyncset.done $0x0  }
0xa5: {  	s25 =	simm.s32 $0x1B8E;
	s24 =	sld [smem:$0x3FFE];
	[sflag:s23] =	ssyncadd.s32 $0xFFFFFFFF  }
0xa6: {  	s26 =	simm.s32 $execute0_lowered;
	[smem:$0x3FD2] =	sst s25  }
0xa7: {  	s6 =	sshll.u32 s26, $0x1;
	_ =	strace $0x80000046;
	[dreg:$0x1] =	wrdreg $0xFFFFFFFF  }
0xa8: {  	s28 =	simm.s32 $_size_execute0_lowered;
	s4 =	sadd.s32 s4, s6;
	[dreg:$0x0] =	wrdreg $0x0  }
0xa9: {  	s6 =	sshll.u32 s28, $0x1;
	[dreg:$0x2] =	wrdreg s4  }
0xaa: {  	[dreg:$0x3] =	wrdreg s6  }
0xab: {  	[dreg:$0x4] =	wrdreg $0xC0  }
0xac: {  	_ =	task [dreg:s8], $0x5FFFF  }
0xad: {  	[dreg:$0x1] =	wrdreg $0xFFFFFFFF  }
0xae: {  	[dreg:$0x0] =	wrdreg $0x60  }
0xaf: {  	[dreg:$0x2] =	wrdreg s24  }
0xb0: {  	[dreg:$0x3] =	wrdreg s2  }
0xb1: {  	[dreg:$0x4] =	wrdreg s18  }
0xb2: {  	[dreg:$0x5] =	wrdreg $0x9  }
0xb3: {  	_ =	task.clear_ibuf [dreg:s8], $0x6FFFF;
	_ =	strace $0x90000046  }
0xb4: {  	s29 =	simm.s32 $0x9;
	_ =	strace $0x80000048  }
0xb5: {  	_ =	swait.ge [sflag:s29], $0x1  }
0xb6: {  	[sflag:s29] =	ssyncadd.s32 $0xFFFFFFFF  }
0xb7: {  	_ =	strace $0x90000048  }
0xb8: {  	_ =	sfence  }
0xb9: {  	s30 =	sld [smem:$0x0];
	_ =	sdelay $0x2  }
0xba: {  	s31 =	sshll.u32 s1, $0xD;
	s1 =	sshrl.u32 s1, $0x2  }
0xbb: {  	s3 =	sand.u32 $0x4000, s31;
	s1 =	sadd.s32 s1, s30  }
0xbc: {  	s0 =	sor.u32 s3, s0;
	s1 =	sshll.u32 s1, $0x11  }
0xbd: {  	s0 =	sor.u32 s1, s0  }
0xbe: {  	s0 =	sadd.s32 $0x8F2B, s0  }
0xbf: {  	[sflag:s0] =	ssyncadd.remote.s32 $0x1  }
0xc0: {  	_ =	sfence.sel $0xFFFF  }
0xc1: {  	[dreg:$0x0] =	wrdreg $0xFFFFFFFF;
	(pc) =	sbr.abs _section_cstart, $3  }
0xc2: {  	[dreg:$0x1] =	wrdreg $0xFFFFFFFF  }
0xc3: {  	_ =	task.clear_ibuf [dreg:s8], $0x2FFFF;
	_ =	strace $0x9FFFFFFF  }
0xc4: {  	(tm) =	ssettm $0x7FFFFFFF  }
0xc5: {  	_ =	shalt  }
tec
execute0_lowered:
.L_overlay_start_1:
0x0: {  	(tag) =	ssettag $0x1  }
0x1: {  	s0 =	rddreg [dreg:$0x0]  }
0x2: {  	s1 =	srdreg.scid;
	s3 =	stileid.u32  }
0x3: {  	s2 =	rddreg [dreg:$0x1];
	s1 =	sand.u32 $0x1, s1;
	s4 =	sshll.u32 s3, $0x1  }
0x4: {  	s3 =	rddreg [dreg:$0x2];
	s5 =	sor.u32 s1, s4;
	s4 =	simm.s32 $0x0  }
0x5: {  	s24 =	sadd.s32 $0x80, s2;
	[smem:$0x7FF] =	sst s4  }
0x6: {  	s25 =	sadd.s32 $0x100, s2;
	_ =	strace $0x80000047;
	[dreg:$0x7] =	wrdreg s24  }
0x7: {  	s26 =	sadd.s32 $0x180, s2;
	s28 =	sadd.s32 $0x200, s2;
	[dreg:$0x8] =	wrdreg s25  }
0x8: {  	s29 =	sadd.s32 $0x280, s2;
	s30 =	sadd.s32 $0x300, s2;
	[dreg:$0x9] =	wrdreg s26  }
0x9: {  	s31 =	sadd.s32 $0x380, s2;
	s1 =	ssub.s32 $0x2, s1;
	[dreg:$0xa] =	wrdreg s28  }
0xa: {  	s6 =	smul.u32 $0xFA0, s5;
	s7 =	sshrl.u32 s1, $0x1;
	[dreg:$0xb] =	wrdreg s29  }
.Ltmp0:
0xb: {  	s1 =	ssub.s32 s1, s7;
	[dreg:$0xc] =	wrdreg s30;
	(pc) =	sbr.rel .LBB2_1-.Ltmp0, $4  }
0xc: {  	[dreg:$0xd] =	wrdreg s31;
	s6 =	sadd.s32 s6, s0;
	s0 =	sadd.s32 $0x1E860, s0  }
0xd: {  	p0 =	sne.s32 s5, $0x1F;
	s23 =	smax.u32 s1, $0x1;
	[dreg:$0x5] =	wrdreg s0  }
0xe: {  	s7 =	sshll.u32 s5, $0xF;
	s6 =	sadd.s32 $0x400, s6;
	[dreg:$0x6] =	wrdreg s23  }
0xf: {  	s24 =	simm.s32 $0x1;
	s26 =	simm.s32 $0x0;
	[dreg:$0x4] =	wrdreg s6  }
.LBB2_10:
0x10: {  	s0 =	simm.s32 $0x2  }
0x11: {  	_ =	swait.ge [sflag:s0], $0x8000  }
0x12: {  	[sflag:s0] =	ssyncset.done $0x0  }
0x13: {  	[sflag:s0] =	ssyncadd.s32 $0xFFFF8000  }
0x14: {  	_ =	swait.ge [sflag:s0], $0x8000  }
0x15: {  	[sflag:s0] =	ssyncset.done $0x0  }
0x16: {  	[sflag:s0] =	ssyncadd.s32 $0xFFFF8000  }
.LBB2_11:
0x17: {  	s26 =	sadd.s32 $0x1, s26;
	s0 =	rddreg [dreg:$0x6]  }
0x18: {  	p1 =	sne.s32 s26, s0  }
.Ltmp1:
0x19: {  	_ = 	snop;
	(pc) =	sbr.rel @!p1 .LBB2_12-.Ltmp1, $1  }
0x1a: {  	_ =	sdelay $0x3  }
.LBB2_1:
0x1b: {  	s0 =	simm.s32 @p0 $0x0;
	s1 =	rddreg [dreg:$0x4]  }
0x1c: {  	[tilespmem:s0], [sflag:$0x3] =	stream.linear.gather @p0 [hbm4b:s1+s0], $0x7D00, $0x38;
	[tilespmem:$0x18500] =	vst v63  }
0x1d: {  	s0 =	simm.s32 @p0 $0x3  }
0x1e: {  	_ =	swait.ge @p0 [sflag:s0], $0x7D00  }
0x1f: {  	[sflag:s0] =	ssyncset.done @p0 $0x0  }
0x20: {  	s1 =	rddreg [dreg:$0x5];
	[sflag:s0] =	ssyncadd.s32 @p0 $0xFFFF8300;
	s0 =	simm.s32 @!p0 $0x0  }
0x21: {  	[tilespmem:s0], [sflag:$0x3] =	stream.linear.gather @!p0 [hbm4b:s1+s0], $0x1F40, $0x38;
	[tilespmem:$0x18500] =	vst v63  }
0x22: {  	s0 =	simm.s32 @!p0 $0x3  }
0x23: {  	_ =	swait.ge @!p0 [sflag:s0], $0x1F40  }
0x24: {  	[sflag:s0] =	ssyncset.done @!p0 $0x0  }
0x25: {  	s13 =	simm.s32 $0x7D00;
	[sflag:s0] =	ssyncadd.s32 @!p0 $0xFFFFE0C0  }
0x26: {  	[tilespmem:s13], [sflag:$0x1] =	stream.linear.gather [hbm4b:s2+s4], $0x80, $0x38;
	[tilespmem:$0x18500] =	vst v63  }
0x27: {  	s15 =	simm.s32 $0x7E00;
	s14 =	rddreg [dreg:$0x7]  }
0x28: {  	[tilespmem:s15], [sflag:$0x1] =	stream.linear.gather [hbm4b:s14+s4], $0x80, $0x38;
	[tilespmem:$0x18500] =	vst v63  }
0x29: {  	s17 =	simm.s32 $0x7F00;
	s16 =	rddreg [dreg:$0x8]  }
0x2a: {  	[tilespmem:s17], [sflag:$0x1] =	stream.linear.gather [hbm4b:s16+s4], $0x80, $0x38;
	[tilespmem:$0x18500] =	vst v63  }
0x2b: {  	s19 =	simm.s32 $0x8000;
	s18 =	rddreg [dreg:$0x9]  }
0x2c: {  	[tilespmem:s19], [sflag:$0x1] =	stream.linear.gather [hbm4b:s18+s4], $0x80, $0x38;
	[tilespmem:$0x18500] =	vst v63  }
0x2d: {  	s21 =	simm.s32 $0x8100;
	s20 =	rddreg [dreg:$0xa]  }
0x2e: {  	[tilespmem:s21], [sflag:$0x1] =	stream.linear.gather [hbm4b:s20+s4], $0x80, $0x38;
	[tilespmem:$0x18500] =	vst v63  }
0x2f: {  	s23 =	simm.s32 $0x8200;
	s22 =	rddreg [dreg:$0xb]  }
0x30: {  	[tilespmem:s23], [sflag:$0x1] =	stream.linear.gather [hbm4b:s22+s4], $0x80, $0x38;
	[tilespmem:$0x18500] =	vst v63  }
.Ltmp2:
0x31: {  	_ = 	snop;
	(pc) =	sbr.rel .LBB2_2-.Ltmp2, $4  }
0x32: {  	s28 =	simm.s32 $0x8300;
	s25 =	rddreg [dreg:$0xc]  }
0x33: {  	[tilespmem:s28], [sflag:$0x1] =	stream.linear.gather [hbm4b:s25+s4], $0x80, $0x38;
	[tilespmem:$0x18500] =	vst v63  }
0x34: {  	s31 =	simm.s32 $0x8400;
	s29 =	simm.s32 $0x0;
	s30 =	rddreg [dreg:$0xd]  }
0x35: {  	[tilespmem:s31], [sflag:$0x1] =	stream.linear.gather [hbm4b:s30+s4], $0x80, $0x38;
	[tilespmem:$0x18500] =	vst v63  }
.LBB2_9:
.Ltmp3:
0x36: {  	(pc) =	sbr.rel @p1 .LBB2_10-.Ltmp3, $4  }
0x37: {  	s0 =	sadd.s32 s7, s0  }
0x38: {  	s0 =	sshrl.u32 s0, $0x3  }
0x39: {  	s29 =	smov.u32 s28;
	s0 =	sadd.s32 s3, s0  }
0x3a: {  	[hbm4b:s0+s4] =	stream.linear.scatter [tilespmem:s30], [sflag:$0x2], $0x8000, $0x38;
	[tilespmem:$0x18500] =	vst v63  }
.LBB2_2:
0x3b: {  	_ =	swait.ge [sflag:s24], $0x400  }
0x3c: {  	s28 =	sadd.s32 $0x1, s29;
	p1 =	seq.s32 s29, $0x31;
	[sflag:s24] =	ssyncset.done $0x0  }
0x3d: {  	s0 =	sxor.u32 @!p1 $0xFFFFFFFF, s29;
	s1 =	sshll.u32 @!p1 s28, $0x4;
	s5 =	sshll.u32 @!p1 s28, $0x7  }
0x3e: {  	[sflag:s24] =	ssyncadd.s32 $0xFFFFFC00;
	s0 =	sshll.u32 @!p1 s0, $0x7;
	s1 =	sand.u32 @!p1 $0x70, s1  }
0x3f: {  	s5 =	sand.u32 @!p1 $0x3C00, s5;
	s0 =	sand.u32 @!p1 $0x80, s0;
	s1 =	sadd.s32 @!p1 s2, s1  }
0x40: {  	s6 =	sor.u32 @!p1 $0x7D00, s0;
	s1 =	sadd.s32 @!p1 s5, s1;
	s5 =	simm.s32 @!p1 $0x0  }
0x41: {  	[tilespmem:s6], [sflag:$0x1] =	stream.linear.gather @!p1 [hbm4b:s1+s5], $0x80, $0x38;
	[tilespmem:$0x18500] =	vst v63  }
0x42: {  	s8 =	sor.u32 @!p1 $0x7E00, s0;
	s6 =	sadd.s32 @!p1 $0x80, s1  }
0x43: {  	[tilespmem:s8], [sflag:$0x1] =	stream.linear.gather @!p1 [hbm4b:s6+s5], $0x80, $0x38;
	[tilespmem:$0x18500] =	vst v63  }
0x44: {  	s6 =	sadd.s32 @!p1 $0x100, s1;
	s8 =	sor.u32 @!p1 $0x7F00, s0  }
0x45: {  	[tilespmem:s8], [sflag:$0x1] =	stream.linear.gather @!p1 [hbm4b:s6+s5], $0x80, $0x38;
	[tilespmem:$0x18500] =	vst v63  }
0x46: {  	s6 =	sadd.s32 @!p1 $0x180, s1;
	s8 =	sor.u32 @!p1 $0x8000, s0  }
0x47: {  	[tilespmem:s8], [sflag:$0x1] =	stream.linear.gather @!p1 [hbm4b:s6+s5], $0x80, $0x38;
	[tilespmem:$0x18500] =	vst v63  }
0x48: {  	s6 =	sadd.s32 @!p1 $0x200, s1;
	s8 =	sor.u32 @!p1 $0x8100, s0  }
0x49: {  	[tilespmem:s8], [sflag:$0x1] =	stream.linear.gather @!p1 [hbm4b:s6+s5], $0x80, $0x38;
	[tilespmem:$0x18500] =	vst v63  }
0x4a: {  	s6 =	sadd.s32 @!p1 $0x280, s1;
	s8 =	sor.u32 @!p1 $0x8200, s0  }
0x4b: {  	[tilespmem:s8], [sflag:$0x1] =	stream.linear.gather @!p1 [hbm4b:s6+s5], $0x80, $0x38;
	[tilespmem:$0x18500] =	vst v63  }
0x4c: {  	s6 =	sadd.s32 @!p1 $0x300, s1;
	s8 =	sor.u32 @!p1 $0x8300, s0  }
0x4d: {  	[tilespmem:s8], [sflag:$0x1] =	stream.linear.gather @!p1 [hbm4b:s6+s5], $0x80, $0x38;
	[tilespmem:$0x18500] =	vst v63  }
0x4e: {  	p2 =	slt.u32 @!p1 s29, $0x2;
	s1 =	sadd.s32 @!p1 $0x380, s1;
	s0 =	sor.u32 @!p1 $0x8400, s0  }
0x4f: {  	[tilespmem:s0], [sflag:$0x1] =	stream.linear.gather @!p1 [hbm4b:s1+s5], $0x80, $0x38;
	[tilespmem:$0x18500] =	vst v63  }
0x50: {  	p1 =	por p1, !p2  }
.Ltmp4:
0x51: {  	_ = 	snop;
	(pc) =	sbr.rel @!p1 .LBB2_4-.Ltmp4, $1  }
0x52: {  	_ =	sdelay $0x3  }
0x53: {  	s0 =	simm.s32 @p0 $0x2  }
0x54: {  	_ =	swait.ge @p0 [sflag:s0], $0x8000  }
0x55: {  	[sflag:s0] =	ssyncset.done @p0 $0x0  }
0x56: {  	[sflag:s0] =	ssyncadd.s32 @p0 $0xFFFF8000;
	s0 =	simm.s32 @!p0 $0x2  }
0x57: {  	_ =	swait.ge @!p0 [sflag:s0], $0x2000  }
0x58: {  	[sflag:s0] =	ssyncset.done @!p0 $0x0  }
0x59: {  	[sflag:s0] =	ssyncadd.s32 @!p0 $0xFFFFE000  }
.LBB2_4:
0x5a: {  	s0 =	sshll.u32 s29, $0x7;
	s1 =	simm.s32 $0x0  }
0x5b: {  	s0 =	sand.u32 $0x80, s0;
	s6 =	sand.u32 $0x1C00, s1  }
0x5c: {  	s5 =	sand.u32 $0x60, s1;
	s31 =	sor.u32 $0x7D00, s0;
	s21 =	sshrl.u32 s6, $0x2  }
0x5d: {  	s8 =	sor.u32 $0x10, s5;
	s0 =	sadd.s32 s21, s31  }
0x5e: {  	s22 =	sadd.s32 s8, s0  }
0x5f: {  	v4 =	vld [tilespmem:s22+$0x0];
	_ =	sdelay $0x7  }
0x60: {  	s23 =	sshll.u32 s29, $0xF;
	v0 =	vld.idx.msk [tilespmem:v4+s4+$0x0], $0xffff  }
0x61: {  	s1 =	sand.u32 $0x8000, s23;
	s0 =	sadd.s32 s5, s0;
	v1 =	vadd.s32 $0x3E8, v4  }
0x62: {  	s30 =	sadd.s32 $0x8500, s1;
	v3 =	vld [tilespmem:s0+$0x0]  }
0x63: {  	s9 =	sadd.s32 s6, s30  }
0x64: {  	s25 =	sadd.s32 s8, s9  }
0x65: {  	[tilespmem:s25+$0x0] =	vst v0  }
0x66: {  	v0 =	vld.idx.msk [tilespmem:v1+s4+$0x0], $0xffff  }
0x67: {  	v1 =	vadd.s32 $0x7D0, v4;
	_ =	sdelay $0x2  }
0x68: {  	v2 =	vld.idx.msk [tilespmem:v3+s4+$0x0], $0xffff  }
0x69: {  	[tilespmem:s25+$0x80] =	vst v0;
	v0 =	vadd.s32 $0x3E8, v3  }
0x6a: {  	v1 =	vld.idx.msk [tilespmem:v1+s4+$0x0], $0xffff  }
0x6b: {  	v5 =	vadd.s32 $0xBB8, v4  }
0x6c: {  	s6 =	sadd.s32 s5, s9  }
0x6d: {  	[tilespmem:s6+$0x0] =	vst v2  }
0x6e: {  	v0 =	vld.idx.msk [tilespmem:v0+s4+$0x0], $0xffff  }
0x6f: {  	[tilespmem:s25+$0x100] =	vst v1;
	v1 =	vadd.s32 $0x7D0, v3  }
0x70: {  	v2 =	vld.idx.msk [tilespmem:v5+s4+$0x0], $0xffff  }
0x71: {  	v5 =	vadd.s32 $0xFA0, v4;
	_ =	sdelay $0x1  }
0x72: {  	[tilespmem:s6+$0x80] =	vst v0  }
0x73: {  	v0 =	vld.idx.msk [tilespmem:v1+s4+$0x0], $0xffff  }
0x74: {  	v1 =	vadd.s32 $0xBB8, v3;
	[tilespmem:s25+$0x180] =	vst v2  }
0x75: {  	v2 =	vld.idx.msk [tilespmem:v5+s4+$0x0], $0xffff  }
0x76: {  	v5 =	vadd.s32 $0x1388, v4;
	_ =	sdelay $0x1  }
0x77: {  	[tilespmem:s6+$0x100] =	vst v0  }
0x78: {  	v0 =	vld.idx.msk [tilespmem:v1+s4+$0x0], $0xffff  }
0x79: {  	v1 =	vadd.s32 $0xFA0, v3;
	[tilespmem:s25+$0x200] =	vst v2  }
0x7a: {  	v2 =	vld.idx.msk [tilespmem:v5+s4+$0x0], $0xffff  }
0x7b: {  	v5 =	vadd.s32 $0x1770, v4;
	_ =	sdelay $0x1  }
0x7c: {  	[tilespmem:s6+$0x180] =	vst v0  }
0x7d: {  	v0 =	vld.idx.msk [tilespmem:v1+s4+$0x0], $0xffff  }
0x7e: {  	v1 =	vadd.s32 $0x1388, v3;
	[tilespmem:s25+$0x280] =	vst v2  }
0x7f: {  	v2 =	vld.idx.msk [tilespmem:v5+s4+$0x0], $0xffff  }
0x80: {  	v5 =	vadd.s32 $0x1B58, v4;
	_ =	sdelay $0x1  }
0x81: {  	[tilespmem:s6+$0x200] =	vst v0  }
0x82: {  	v0 =	vld.idx.msk [tilespmem:v1+s4+$0x0], $0xffff  }
0x83: {  	v1 =	vadd.s32 $0x1770, v3;
	[tilespmem:s25+$0x300] =	vst v2  }
0x84: {  	s11 =	simm.s32 $0x100;
	v2 =	vld.idx.msk [tilespmem:v5+s4+$0x0], $0xffff  }
0x85: {  	s12 =	simm.s32 $0x20;
	s10 =	sand.u32 $0x1C00, s11;
	v5 =	vadd.s32 $0x1F40, v4  }
0x86: {  	s23 =	sand.u32 $0x60, s12;
	s13 =	sshrl.u32 s10, $0x2  }
0x87: {  	s14 =	sadd.s32 s13, s31;
	s22 =	sor.u32 $0x10, s23;
	[tilespmem:s6+$0x280] =	vst v0  }
0x88: {  	s1 =	sadd.s32 s22, s14;
	v1 =	vld.idx.msk [tilespmem:v1+s4+$0x0], $0xffff  }
0x89: {  	v0 =	vld [tilespmem:s1+$0x0];
	[tilespmem:s25+$0x380] =	vst v2;
	v2 =	vadd.s32 $0x1B58, v3  }
0x8a: {  	v5 =	vld.idx.msk [tilespmem:v5+s4+$0x0], $0xffff  }
0x8b: {  	v7 =	vadd.s32 $0x2328, v4;
	_ =	sdelay $0x1  }
0x8c: {  	s11 =	sadd.s32 $0x2000, s9;
	[tilespmem:s6+$0x300] =	vst v1  }
0x8d: {  	s0 =	sadd.s32 s23, s14;
	s15 =	sadd.s32 s8, s11;
	v1 =	vld.idx.msk [tilespmem:v2+s4+$0x0], $0xffff  }
0x8e: {  	v6 =	vld [tilespmem:s0+$0x0];
	v2 =	vadd.s32 $0x1F40, v3;
	[tilespmem:s15+$0x0] =	vst v5  }
0x8f: {  	v5 =	vld.idx.msk [tilespmem:v7+s4+$0x0], $0xffff  }
0x90: {  	v7 =	vadd.s32 $0x2710, v4  }
0x91: {  	v8 =	vld.idx.msk [tilespmem:v0+s4+$0x0], $0xffff  }
0x92: {  	[tilespmem:s6+$0x380] =	vst v1;
	v1 =	vadd.s32 $0x3E8, v0  }
0x93: {  	v2 =	vld.idx.msk [tilespmem:v2+s4+$0x0], $0xffff  }
0x94: {  	v9 =	vadd.s32 $0x2328, v3;
	s6 =	sadd.s32 s10, s30;
	[tilespmem:s15+$0x80] =	vst v5  }
0x95: {  	s16 =	sadd.s32 s22, s6;
	v5 =	vld.idx.msk [tilespmem:v7+s4+$0x0], $0xffff  }
0x96: {  	[tilespmem:s16+$0x0] =	vst v8;
	v8 =	vadd.s32 $0x2AF8, v4;
	v7 =	vld.idx.msk [tilespmem:v6+s4+$0x0], $0xffff  }
0x97: {  	s11 =	sadd.s32 s5, s11;
	v10 =	vadd.s32 $0x3E8, v6;
	v1 =	vld.idx.msk [tilespmem:v1+s4+$0x0], $0xffff  }
0x98: {  	[tilespmem:s11+$0x0] =	vst v2;
	v2 =	vadd.s32 $0x7D0, v0  }
0x99: {  	v9 =	vld.idx.msk [tilespmem:v9+s4+$0x0], $0xffff  }
0x9a: {  	v11 =	vadd.s32 $0x2710, v3;
	s10 =	sadd.s32 s23, s6;
	[tilespmem:s15+$0x100] =	vst v5  }
0x9b: {  	[tilespmem:s10+$0x0] =	vst v7;
	v5 =	vld.idx.msk [tilespmem:v8+s4+$0x0], $0xffff  }
0x9c: {  	v7 =	vld.idx.msk [tilespmem:v10+s4+$0x0], $0xffff;
	[tilespmem:s16+$0x80] =	vst v1;
	v1 =	vadd.s32 $0x2EE0, v4  }
0x9d: {  	v8 =	vadd.s32 $0x7D0, v6;
	v2 =	vld.idx.msk [tilespmem:v2+s4+$0x0], $0xffff  }
0x9e: {  	[tilespmem:s11+$0x80] =	vst v9;
	v9 =	vadd.s32 $0xBB8, v0  }
0x9f: {  	v10 =	vld.idx.msk [tilespmem:v11+s4+$0x0], $0xffff  }
0xa0: {  	v11 =	vadd.s32 $0x2AF8, v3;
	[tilespmem:s15+$0x180] =	vst v5  }
0xa1: {  	[tilespmem:s10+$0x80] =	vst v7;
	v1 =	vld.idx.msk [tilespmem:v1+s4+$0x0], $0xffff  }
0xa2: {  	v5 =	vld.idx.msk [tilespmem:v8+s4+$0x0], $0xffff;
	[tilespmem:s16+$0x100] =	vst v2;
	v2 =	vadd.s32 $0x32C8, v4  }
0xa3: {  	v7 =	vadd.s32 $0xBB8, v6;
	v8 =	vld.idx.msk [tilespmem:v9+s4+$0x0], $0xffff  }
0xa4: {  	v9 =	vadd.s32 $0xFA0, v0;
	[tilespmem:s11+$0x100] =	vst v10  }
0xa5: {  	v10 =	vld.idx.msk [tilespmem:v11+s4+$0x0], $0xffff  }
0xa6: {  	v11 =	vadd.s32 $0x2EE0, v3;
	[tilespmem:s15+$0x200] =	vst v1  }
0xa7: {  	[tilespmem:s10+$0x100] =	vst v5;
	v1 =	vld.idx.msk [tilespmem:v2+s4+$0x0], $0xffff  }
0xa8: {  	v5 =	vadd.s32 $0x36B0, v4;
	v2 =	vld.idx.msk [tilespmem:v7+s4+$0x0], $0xffff;
	[tilespmem:s16+$0x180] =	vst v8  }
0xa9: {  	v7 =	vadd.s32 $0xFA0, v6;
	v8 =	vld.idx.msk [tilespmem:v9+s4+$0x0], $0xffff  }
0xaa: {  	v9 =	vadd.s32 $0x1388, v0;
	[tilespmem:s11+$0x180] =	vst v10  }
0xab: {  	v10 =	vld.idx.msk [tilespmem:v11+s4+$0x0], $0xffff  }
0xac: {  	v11 =	vadd.s32 $0x32C8, v3;
	[tilespmem:s15+$0x280] =	vst v1  }
0xad: {  	[tilespmem:s10+$0x180] =	vst v2;
	v1 =	vld.idx.msk [tilespmem:v5+s4+$0x0], $0xffff  }
0xae: {  	v2 =	vld.idx.msk [tilespmem:v7+s4+$0x0], $0xffff;
	v5 =	vadd.s32 $0x3A98, v4;
	[tilespmem:s16+$0x200] =	vst v8  }
0xaf: {  	v7 =	vadd.s32 $0x1388, v6;
	v8 =	vld.idx.msk [tilespmem:v9+s4+$0x0], $0xffff  }
0xb0: {  	v9 =	vadd.s32 $0x1770, v0;
	[tilespmem:s11+$0x200] =	vst v10  }
0xb1: {  	v10 =	vld.idx.msk [tilespmem:v11+s4+$0x0], $0xffff  }
0xb2: {  	v11 =	vadd.s32 $0x36B0, v3;
	[tilespmem:s15+$0x300] =	vst v1  }
0xb3: {  	[tilespmem:s10+$0x200] =	vst v2;
	v1 =	vld.idx.msk [tilespmem:v5+s4+$0x0], $0xffff  }
0xb4: {  	v2 =	vld.idx.msk [tilespmem:v7+s4+$0x0], $0xffff;
	v5 =	vadd.s32 $0x3E80, v4;
	[tilespmem:s16+$0x280] =	vst v8  }
0xb5: {  	v7 =	vadd.s32 $0x1770, v6;
	v8 =	vld.idx.msk [tilespmem:v9+s4+$0x0], $0xffff  }
0xb6: {  	v9 =	vadd.s32 $0x1B58, v0;
	[tilespmem:s11+$0x280] =	vst v10  }
0xb7: {  	v10 =	vld.idx.msk [tilespmem:v11+s4+$0x0], $0xffff  }
0xb8: {  	v11 =	vadd.s32 $0x3A98, v3;
	[tilespmem:s15+$0x380] =	vst v1  }
0xb9: {  	[tilespmem:s10+$0x280] =	vst v2;
	v1 =	vld.idx.msk [tilespmem:v5+s4+$0x0], $0xffff  }
0xba: {  	v2 =	vld.idx.msk [tilespmem:v7+s4+$0x0], $0xffff;
	v5 =	vadd.s32 $0x4268, v4;
	[tilespmem:s16+$0x300] =	vst v8  }
0xbb: {  	v7 =	vadd.s32 $0x1B58, v6;
	v8 =	vld.idx.msk [tilespmem:v9+s4+$0x0], $0xffff  }
0xbc: {  	s12 =	sadd.s32 $0x4000, s9;
	v9 =	vadd.s32 $0x1F40, v0;
	[tilespmem:s11+$0x300] =	vst v10  }
0xbd: {  	s17 =	simm.s32 $0x200;
	s13 =	sadd.s32 s8, s12;
	v10 =	vld.idx.msk [tilespmem:v11+s4+$0x0], $0xffff  }
0xbe: {  	s18 =	simm.s32 $0x40;
	s14 =	sand.u32 $0x1C00, s17;
	v11 =	vadd.s32 $0x3E80, v3;
	[tilespmem:s13+$0x0] =	vst v1  }
0xbf: {  	s1 =	sand.u32 $0x60, s18;
	s15 =	sshrl.u32 s14, $0x2;
	[tilespmem:s10+$0x300] =	vst v2;
	v2 =	vld.idx.msk [tilespmem:v5+s4+$0x0], $0xffff  }
0xc0: {  	s0 =	sor.u32 $0x10, s1;
	s15 =	sadd.s32 s15, s31;
	v5 =	vld.idx.msk [tilespmem:v7+s4+$0x0], $0xffff;
	v7 =	vadd.s32 $0x4650, v4;
	[tilespmem:s16+$0x380] =	vst v8  }
0xc1: {  	s16 =	sadd.s32 s0, s15;
	v8 =	vld.idx.msk [tilespmem:v9+s4+$0x0], $0xffff  }
0xc2: {  	v9 =	vadd.s32 $0x1F40, v6;
	v1 =	vld [tilespmem:s16+$0x0];
	[tilespmem:s11+$0x380] =	vst v10  }
0xc3: {  	s19 =	sadd.s32 s1, s15;
	v10 =	vld.idx.msk [tilespmem:v11+s4+$0x0], $0xffff;
	v11 =	vadd.s32 $0x2328, v0  }
0xc4: {  	v12 =	vadd.s32 $0x4268, v3;
	v16 =	vld [tilespmem:s19+$0x0];
	[tilespmem:s13+$0x80] =	vst v2  }
0xc5: {  	s20 =	sadd.s32 $0x2000, s6;
	v2 =	vld.idx.msk [tilespmem:v7+s4+$0x0], $0xffff  }
0xc6: {  	s21 =	sadd.s32 s22, s20;
	[tilespmem:s10+$0x380] =	vst v5;
	v5 =	vadd.s32 $0x4A38, v4  }
0xc7: {  	s12 =	sadd.s32 s5, s12;
	v7 =	vld.idx.msk [tilespmem:v9+s4+$0x0], $0xffff;
	[tilespmem:s21+$0x0] =	vst v8  }
0xc8: {  	v8 =	vadd.s32 $0x2328, v6;
	[tilespmem:s12+$0x0] =	vst v10;
	v9 =	vld.idx.msk [tilespmem:v11+s4+$0x0], $0xffff  }
0xc9: {  	v11 =	vadd.s32 $0x2710, v0;
	v10 =	vld.idx.msk [tilespmem:v12+s4+$0x0], $0xffff  }
0xca: {  	v12 =	vadd.s32 $0x4650, v3;
	v13 =	vld.idx.msk [tilespmem:v1+s4+$0x0], $0xffff;
	[tilespmem:s13+$0x100] =	vst v2  }
0xcb: {  	s25 =	sadd.s32 s23, s20;
	v2 =	vld.idx.msk [tilespmem:v5+s4+$0x0], $0xffff;
	v5 =	vadd.s32 $0x3E8, v1  }
0xcc: {  	v14 =	vadd.s32 $0x4E20, v4;
	[tilespmem:s25+$0x0] =	vst v7;
	v7 =	vld.idx.msk [tilespmem:v16+s4+$0x0], $0xffff  }
0xcd: {  	v15 =	vadd.s32 $0x3E8, v16;
	s16 =	sadd.s32 s14, s30;
	v8 =	vld.idx.msk [tilespmem:v8+s4+$0x0], $0xffff;
	[tilespmem:s21+$0x80] =	vst v9  }
0xce: {  	s14 =	sadd.s32 s0, s16;
	v9 =	vadd.s32 $0x2710, v6;
	[tilespmem:s12+$0x80] =	vst v10;
	v10 =	vld.idx.msk [tilespmem:v11+s4+$0x0], $0xffff  }
0xcf: {  	[tilespmem:s14+$0x0] =	vst v13;
	v11 =	vadd.s32 $0x2AF8, v0;
	v12 =	vld.idx.msk [tilespmem:v12+s4+$0x0], $0xffff  }
0xd0: {  	s11 =	sadd.s32 s1, s16;
	v13 =	vadd.s32 $0x4A38, v3;
	v5 =	vld.idx.msk [tilespmem:v5+s4+$0x0], $0xffff;
	[tilespmem:s13+$0x180] =	vst v2  }
0xd1: {  	[tilespmem:s11+$0x0] =	vst v7;
	v7 =	vadd.s32 $0x7D0, v1;
	v2 =	vld.idx.msk [tilespmem:v14+s4+$0x0], $0xffff  }
0xd2: {  	v14 =	vld.idx.msk [tilespmem:v15+s4+$0x0], $0xffff;
	[tilespmem:s25+$0x80] =	vst v8;
	v8 =	vadd.s32 $0x5208, v4  }
0xd3: {  	v15 =	vadd.s32 $0x7D0, v16;
	v9 =	vld.idx.msk [tilespmem:v9+s4+$0x0], $0xffff;
	[tilespmem:s21+$0x100] =	vst v10  }
0xd4: {  	v10 =	vadd.s32 $0x2AF8, v6;
	v11 =	vld.idx.msk [tilespmem:v11+s4+$0x0], $0xffff;
	[tilespmem:s12+$0x100] =	vst v12  }
0xd5: {  	[tilespmem:s14+$0x80] =	vst v5;
	v5 =	vadd.s32 $0x2EE0, v0;
	v12 =	vld.idx.msk [tilespmem:v13+s4+$0x0], $0xffff  }
0xd6: {  	v13 =	vadd.s32 $0x4E20, v3;
	v7 =	vld.idx.msk [tilespmem:v7+s4+$0x0], $0xffff;
	[tilespmem:s13+$0x200] =	vst v2  }
0xd7: {  	[tilespmem:s11+$0x80] =	vst v14;
	v2 =	vld.idx.msk [tilespmem:v8+s4+$0x0], $0xffff;
	v8 =	vadd.s32 $0xBB8, v1  }
0xd8: {  	v14 =	vld.idx.msk [tilespmem:v15+s4+$0x0], $0xffff;
	[tilespmem:s25+$0x100] =	vst v9;
	v9 =	vadd.s32 $0x55F0, v4  }
0xd9: {  	v15 =	vadd.s32 $0xBB8, v16;
	v10 =	vld.idx.msk [tilespmem:v10+s4+$0x0], $0xffff;
	[tilespmem:s21+$0x180] =	vst v11  }
0xda: {  	v11 =	vadd.s32 $0x2EE0, v6;
	v5 =	vld.idx.msk [tilespmem:v5+s4+$0x0], $0xffff;
	[tilespmem:s12+$0x180] =	vst v12  }
0xdb: {  	[tilespmem:s14+$0x100] =	vst v7;
	v7 =	vadd.s32 $0x32C8, v0;
	v12 =	vld.idx.msk [tilespmem:v13+s4+$0x0], $0xffff  }
0xdc: {  	v13 =	vadd.s32 $0x5208, v3;
	v8 =	vld.idx.msk [tilespmem:v8+s4+$0x0], $0xffff;
	[tilespmem:s13+$0x280] =	vst v2  }
0xdd: {  	[tilespmem:s11+$0x100] =	vst v14;
	v2 =	vld.idx.msk [tilespmem:v9+s4+$0x0], $0xffff;
	v9 =	vadd.s32 $0xFA0, v1  }
0xde: {  	v14 =	vld.idx.msk [tilespmem:v15+s4+$0x0], $0xffff;
	[tilespmem:s25+$0x180] =	vst v10;
	v10 =	vadd.s32 $0x59D8, v4  }
0xdf: {  	v15 =	vadd.s32 $0xFA0, v16;
	v11 =	vld.idx.msk [tilespmem:v11+s4+$0x0], $0xffff;
	[tilespmem:s21+$0x200] =	vst v5  }
0xe0: {  	v5 =	vadd.s32 $0x32C8, v6;
	v7 =	vld.idx.msk [tilespmem:v7+s4+$0x0], $0xffff;
	[tilespmem:s12+$0x200] =	vst v12  }
0xe1: {  	[tilespmem:s14+$0x180] =	vst v8;
	v8 =	vadd.s32 $0x36B0, v0;
	v12 =	vld.idx.msk [tilespmem:v13+s4+$0x0], $0xffff  }
0xe2: {  	v13 =	vadd.s32 $0x55F0, v3;
	v9 =	vld.idx.msk [tilespmem:v9+s4+$0x0], $0xffff;
	[tilespmem:s13+$0x300] =	vst v2  }
0xe3: {  	[tilespmem:s11+$0x180] =	vst v14;
	v2 =	vld.idx.msk [tilespmem:v10+s4+$0x0], $0xffff;
	v10 =	vadd.s32 $0x1388, v1  }
0xe4: {  	v14 =	vld.idx.msk [tilespmem:v15+s4+$0x0], $0xffff;
	[tilespmem:s25+$0x200] =	vst v11;
	v11 =	vadd.s32 $0x5DC0, v4  }
0xe5: {  	v15 =	vadd.s32 $0x1388, v16;
	v5 =	vld.idx.msk [tilespmem:v5+s4+$0x0], $0xffff;
	[tilespmem:s21+$0x280] =	vst v7  }
0xe6: {  	v7 =	vadd.s32 $0x36B0, v6;
	v8 =	vld.idx.msk [tilespmem:v8+s4+$0x0], $0xffff;
	[tilespmem:s12+$0x280] =	vst v12  }
0xe7: {  	[tilespmem:s14+$0x200] =	vst v9;
	v9 =	vadd.s32 $0x3A98, v0;
	v12 =	vld.idx.msk [tilespmem:v13+s4+$0x0], $0xffff  }
0xe8: {  	v13 =	vadd.s32 $0x59D8, v3;
	v10 =	vld.idx.msk [tilespmem:v10+s4+$0x0], $0xffff;
	[tilespmem:s13+$0x380] =	vst v2  }
0xe9: {  	[tilespmem:s11+$0x200] =	vst v14;
	v2 =	vld.idx.msk [tilespmem:v11+s4+$0x0], $0xffff;
	v11 =	vadd.s32 $0x1770, v1  }
0xea: {  	v14 =	vld.idx.msk [tilespmem:v15+s4+$0x0], $0xffff;
	[tilespmem:s25+$0x280] =	vst v5;
	v5 =	vadd.s32 $0x61A8, v4  }
0xeb: {  	v15 =	vadd.s32 $0x1770, v16;
	v7 =	vld.idx.msk [tilespmem:v7+s4+$0x0], $0xffff;
	[tilespmem:s21+$0x300] =	vst v8  }
0xec: {  	s9 =	sadd.s32 $0x6000, s9;
	v8 =	vadd.s32 $0x3A98, v6;
	v9 =	vld.idx.msk [tilespmem:v9+s4+$0x0], $0xffff;
	[tilespmem:s12+$0x300] =	vst v12  }
0xed: {  	s13 =	sadd.s32 s8, s9;
	[tilespmem:s14+$0x280] =	vst v10;
	v10 =	vadd.s32 $0x3E80, v0;
	v12 =	vld.idx.msk [tilespmem:v13+s4+$0x0], $0xffff  }
0xee: {  	v13 =	vadd.s32 $0x5DC0, v3;
	v11 =	vld.idx.msk [tilespmem:v11+s4+$0x0], $0xffff;
	[tilespmem:s13+$0x0] =	vst v2  }
0xef: {  	[tilespmem:s11+$0x280] =	vst v14;
	v2 =	vld.idx.msk [tilespmem:v5+s4+$0x0], $0xffff;
	v5 =	vadd.s32 $0x1B58, v1  }
0xf0: {  	v14 =	vld.idx.msk [tilespmem:v15+s4+$0x0], $0xffff;
	[tilespmem:s25+$0x300] =	vst v7;
	v7 =	vadd.s32 $0x6590, v4  }
0xf1: {  	v15 =	vadd.s32 $0x1B58, v16;
	v8 =	vld.idx.msk [tilespmem:v8+s4+$0x0], $0xffff;
	[tilespmem:s21+$0x380] =	vst v9  }
0xf2: {  	v9 =	vadd.s32 $0x3E80, v6;
	v10 =	vld.idx.msk [tilespmem:v10+s4+$0x0], $0xffff;
	[tilespmem:s12+$0x380] =	vst v12  }
0xf3: {  	s19 =	simm.s32 $0x300;
	[tilespmem:s14+$0x300] =	vst v11;
	v12 =	vld.idx.msk [tilespmem:v13+s4+$0x0], $0xffff  }
0xf4: {  	s17 =	sadd.s32 s5, s9;
	s5 =	sand.u32 $0x1C00, s19;
	s21 =	simm.s32 $0x60;
	v11 =	vadd.s32 $0x4268, v0;
	v5 =	vld.idx.msk [tilespmem:v5+s4+$0x0], $0xffff;
	[tilespmem:s13+$0x80] =	vst v2  }
0xf5: {  	s20 =	sshrl.u32 s5, $0x2;
	s18 =	sand.u32 $0x60, s21;
	v13 =	vadd.s32 $0x61A8, v3;
	[tilespmem:s11+$0x300] =	vst v14;
	v2 =	vld.idx.msk [tilespmem:v7+s4+$0x0], $0xffff  }
0xf6: {  	s15 =	sadd.s32 $0x4000, s6;
	s9 =	sadd.s32 s20, s31;
	s19 =	sor.u32 $0x10, s18;
	v7 =	vadd.s32 $0x1F40, v1;
	v14 =	vld.idx.msk [tilespmem:v15+s4+$0x0], $0xffff;
	[tilespmem:s25+$0x380] =	vst v8  }
0xf7: {  	s12 =	sadd.s32 s22, s15;
	s25 =	sadd.s32 s19, s9;
	s9 =	sadd.s32 s18, s9;
	v9 =	vld.idx.msk [tilespmem:v9+s4+$0x0], $0xffff  }
0xf8: {  	v8 =	vadd.s32 $0x6978, v4;
	v36 =	vld [tilespmem:s9+$0x0];
	[tilespmem:s12+$0x0] =	vst v10  }
0xf9: {  	v10 =	vld.idx.msk [tilespmem:v11+s4+$0x0], $0xffff;
	[tilespmem:s17+$0x0] =	vst v12;
	v12 =	vadd.s32 $0x1F40, v16  }
0xfa: {  	[tilespmem:s14+$0x380] =	vst v5;
	v5 =	vadd.s32 $0x4650, v0;
	v11 =	vld.idx.msk [tilespmem:v13+s4+$0x0], $0xffff  }
0xfb: {  	v13 =	vadd.s32 $0x4268, v6;
	v7 =	vld.idx.msk [tilespmem:v7+s4+$0x0], $0xffff;
	[tilespmem:s13+$0x100] =	vst v2  }
0xfc: {  	v17 =	vadd.s32 $0x6590, v3;
	s9 =	sadd.s32 s23, s15;
	v2 =	vld [tilespmem:s25+$0x0];
	[tilespmem:s11+$0x380] =	vst v14  }
0xfd: {  	v15 =	vadd.s32 $0x2328, v1;
	v8 =	vld.idx.msk [tilespmem:v8+s4+$0x0], $0xffff;
	[tilespmem:s9+$0x0] =	vst v9  }
0xfe: {  	s11 =	sadd.s32 $0x2000, s16;
	[tilespmem:s12+$0x80] =	vst v10;
	v10 =	vadd.s32 $0x6D60, v4;
	v9 =	vld.idx.msk [tilespmem:v12+s4+$0x0], $0xffff  }
0xff: {  	s14 =	sadd.s32 s0, s11;
	v5 =	vld.idx.msk [tilespmem:v5+s4+$0x0], $0xffff;
	[tilespmem:s17+$0x80] =	vst v11  }
0x100: {  	v12 =	vadd.s32 $0x4A38, v0;
	[tilespmem:s14+$0x0] =	vst v7;
	v7 =	vld.idx.msk [tilespmem:v13+s4+$0x0], $0xffff  }
0x101: {  	v14 =	vld.idx.msk [tilespmem:v17+s4+$0x0], $0xffff  }
0x102: {  	s15 =	sadd.s32 s1, s11;
	v13 =	vld.idx.msk [tilespmem:v15+s4+$0x0], $0xffff;
	[tilespmem:s13+$0x180] =	vst v8;
	v8 =	vadd.s32 $0x2328, v16  }
0x103: {  	v11 =	vadd.s32 $0x2710, v1;
	v10 =	vld.idx.msk [tilespmem:v10+s4+$0x0], $0xffff;
	[tilespmem:s15+$0x0] =	vst v9  }
0x104: {  	v17 =	vadd.s32 $0x4650, v6;
	v15 =	vld.idx.msk [tilespmem:v2+s4+$0x0], $0xffff;
	[tilespmem:s12+$0x100] =	vst v5  }
0x105: {  	v5 =	vadd.s32 $0x7148, v4;
	v9 =	vld.idx.msk [tilespmem:v12+s4+$0x0], $0xffff;
	[tilespmem:s9+$0x80] =	vst v7  }
0x106: {  	v18 =	vadd.s32 $0x3E8, v2;
	v12 =	vld.idx.msk [tilespmem:v36+s4+$0x0], $0xffff;
	[tilespmem:s17+$0x100] =	vst v14  }
0x107: {  	s20 =	sadd.s32 s5, s30;
	v7 =	vld.idx.msk [tilespmem:v8+s4+$0x0], $0xffff;
	[tilespmem:s14+$0x80] =	vst v13;
	v8 =	vadd.s32 $0x4E20, v0  }
0x108: {  	s8 =	sadd.s32 s19, s20;
	v13 =	vadd.s32 $0x3E8, v36;
	v11 =	vld.idx.msk [tilespmem:v11+s4+$0x0], $0xffff;
	[tilespmem:s13+$0x200] =	vst v10  }
0x109: {  	v10 =	vadd.s32 $0x2710, v16;
	[tilespmem:s8+$0x0] =	vst v15;
	v15 =	vld.idx.msk [tilespmem:v17+s4+$0x0], $0xffff  }
0x10a: {  	s5 =	sadd.s32 s18, s20;
	v14 =	vadd.s32 $0x2AF8, v1;
	v5 =	vld.idx.msk [tilespmem:v5+s4+$0x0], $0xffff;
	[tilespmem:s12+$0x180] =	vst v9  }
0x10b: {  	v17 =	vld.idx.msk [tilespmem:v18+s4+$0x0], $0xffff;
	v18 =	vadd.s32 $0x4A38, v6;
	[tilespmem:s5+$0x0] =	vst v12  }
0x10c: {  	v9 =	vadd.s32 $0x7530, v4;
	v8 =	vld.idx.msk [tilespmem:v8+s4+$0x0], $0xffff;
	[tilespmem:s15+$0x80] =	vst v7  }
0x10d: {  	v12 =	vld.idx.msk [tilespmem:v13+s4+$0x0], $0xffff;
	v13 =	vadd.s32 $0x7D0, v2;
	[tilespmem:s14+$0x100] =	vst v11  }
0x10e: {  	v11 =	vadd.s32 $0x7D0, v36;
	v7 =	vld.idx.msk [tilespmem:v10+s4+$0x0], $0xffff;
	[tilespmem:s9+$0x100] =	vst v15  }
0x10f: {  	v10 =	vadd.s32 $0x5208, v0;
	v14 =	vld.idx.msk [tilespmem:v14+s4+$0x0], $0xffff;
	[tilespmem:s13+$0x280] =	vst v5  }
0x110: {  	v5 =	vadd.s32 $0x2AF8, v16;
	[tilespmem:s8+$0x80] =	vst v17;
	v17 =	vld.idx.msk [tilespmem:v18+s4+$0x0], $0xffff  }
0x111: {  	v15 =	vadd.s32 $0x2EE0, v1;
	v9 =	vld.idx.msk [tilespmem:v9+s4+$0x0], $0xffff;
	[tilespmem:s12+$0x200] =	vst v8  }
0x112: {  	v4 =	vadd.s32 $0x7918, v4;
	v13 =	vld.idx.msk [tilespmem:v13+s4+$0x0], $0xffff;
	[tilespmem:s5+$0x80] =	vst v12  }
0x113: {  	v8 =	vadd.s32 $0x4E20, v6;
	v11 =	vld.idx.msk [tilespmem:v11+s4+$0x0], $0xffff;
	[tilespmem:s15+$0x100] =	vst v7  }
0x114: {  	v12 =	vadd.s32 $0xBB8, v2;
	v10 =	vld.idx.msk [tilespmem:v10+s4+$0x0], $0xffff;
	[tilespmem:s14+$0x180] =	vst v14  }
0x115: {  	v14 =	vadd.s32 $0xBB8, v36;
	v5 =	vld.idx.msk [tilespmem:v5+s4+$0x0], $0xffff;
	[tilespmem:s9+$0x180] =	vst v17  }
0x116: {  	v7 =	vadd.s32 $0x55F0, v0;
	v15 =	vld.idx.msk [tilespmem:v15+s4+$0x0], $0xffff;
	[tilespmem:s13+$0x300] =	vst v9  }
0x117: {  	v9 =	vadd.s32 $0x2EE0, v16;
	v4 =	vld.idx.msk [tilespmem:v4+s4+$0x0], $0xffff;
	[tilespmem:s8+$0x100] =	vst v13  }
0x118: {  	v13 =	vadd.s32 $0x32C8, v1;
	v8 =	vld.idx.msk [tilespmem:v8+s4+$0x0], $0xffff;
	[tilespmem:s5+$0x100] =	vst v11  }
0x119: {  	v17 =	vadd.s32 $0x6978, v3;
	v12 =	vld.idx.msk [tilespmem:v12+s4+$0x0], $0xffff;
	[tilespmem:s12+$0x280] =	vst v10  }
0x11a: {  	v10 =	vadd.s32 $0x5208, v6;
	v11 =	vld.idx.msk [tilespmem:v14+s4+$0x0], $0xffff;
	[tilespmem:s15+$0x180] =	vst v5  }
0x11b: {  	v14 =	vadd.s32 $0xFA0, v2;
	v7 =	vld.idx.msk [tilespmem:v7+s4+$0x0], $0xffff;
	[tilespmem:s14+$0x200] =	vst v15  }
0x11c: {  	v15 =	vadd.s32 $0xFA0, v36;
	v5 =	vld.idx.msk [tilespmem:v9+s4+$0x0], $0xffff;
	[tilespmem:s13+$0x380] =	vst v4  }
0x11d: {  	v9 =	vadd.s32 $0x59D8, v0;
	v13 =	vld.idx.msk [tilespmem:v13+s4+$0x0], $0xffff;
	[tilespmem:s9+$0x200] =	vst v8  }
0x11e: {  	v4 =	vadd.s32 $0x32C8, v16;
	v8 =	vld.idx.msk [tilespmem:v17+s4+$0x0], $0xffff;
	[tilespmem:s8+$0x180] =	vst v12  }
0x11f: {  	v12 =	vadd.s32 $0x36B0, v1;
	v17 =	vld.idx.msk [tilespmem:v10+s4+$0x0], $0xffff;
	[tilespmem:s5+$0x180] =	vst v11  }
0x120: {  	v18 =	vadd.s32 $0x6D60, v3;
	v19 =	vld.idx.msk [tilespmem:v14+s4+$0x0], $0xffff;
	[tilespmem:s12+$0x300] =	vst v7  }
0x121: {  	v7 =	vadd.s32 $0x55F0, v6;
	v15 =	vld.idx.msk [tilespmem:v15+s4+$0x0], $0xffff;
	[tilespmem:s15+$0x200] =	vst v5  }
0x122: {  	v20 =	vadd.s32 $0x1388, v2;
	v11 =	vld.idx.msk [tilespmem:v9+s4+$0x0], $0xffff;
	[tilespmem:s14+$0x280] =	vst v13  }
0x123: {  	v23 =	vadd.s32 $0x1388, v36;
	v21 =	vld.idx.msk [tilespmem:v4+s4+$0x0], $0xffff;
	[tilespmem:s17+$0x180] =	vst v8  }
0x124: {  	v13 =	vadd.s32 $0x5DC0, v0;
	v24 =	vld.idx.msk [tilespmem:v12+s4+$0x0], $0xffff;
	[tilespmem:s9+$0x280] =	vst v17  }
0x125: {  	v22 =	vadd.s32 $0x7148, v3;
	v29 =	vadd.s32 $0x6590, v6;
	v63 =	vadd.s32 $0x6978, v6;
	v17 =	vld.idx.msk [tilespmem:v18+s4+$0x0], $0xffff;
	[tilespmem:s8+$0x200] =	vst v19  }
0x126: {  	v27 =	vadd.s32 $0x6D60, v6;
	v62 =	vadd.s32 $0x7148, v6;
	v25 =	vadd.s32 $0x36B0, v16;
	v30 =	vld.idx.msk [tilespmem:v7+s4+$0x0], $0xffff;
	[tilespmem:s5+$0x200] =	vst v15  }
0x127: {  	v10 =	vadd.s32 $0x7918, v3;
	v14 =	vadd.s32 $0x7530, v6;
	v9 =	vadd.s32 $0x61A8, v6;
	v20 =	vld.idx.msk [tilespmem:v20+s4+$0x0], $0xffff;
	[tilespmem:s12+$0x380] =	vst v11  }
0x128: {  	v4 =	vadd.s32 $0x7530, v3;
	v8 =	vadd.s32 $0x59D8, v6;
	v3 =	vadd.s32 $0x4650, v16;
	v33 =	vld.idx.msk [tilespmem:v23+s4+$0x0], $0xffff;
	[tilespmem:s15+$0x280] =	vst v21  }
0x129: {  	v12 =	vadd.s32 $0x7918, v6;
	v18 =	vadd.s32 $0x5DC0, v6;
	v19 =	vadd.s32 $0x3A98, v1;
	v6 =	vld.idx.msk [tilespmem:v13+s4+$0x0], $0xffff;
	[tilespmem:$0x1FF80] =	vst v3  }
0x12a: {  	v3 =	vadd.s32 $0x4A38, v16;
	[tilespmem:s14+$0x300] =	vst v24  }
0x12b: {  	v34 =	vld.idx.msk [tilespmem:v25+s4+$0x0], $0xffff;
	[tilespmem:$0x1FF90] =	vst v3;
	v3 =	vadd.s32 $0x4E20, v16  }
0x12c: {  	[tilespmem:$0x1FFA0] =	vst v3  }
0x12d: {  	v3 =	vadd.s32 $0x5208, v16;
	[tilespmem:s17+$0x200] =	vst v17  }
0x12e: {  	v11 =	vadd.s32 $0x1770, v2;
	v38 =	vld.idx.msk [tilespmem:v19+s4+$0x0], $0xffff;
	[tilespmem:$0x1FFB0] =	vst v3;
	v3 =	vadd.s32 $0x55F0, v16  }
0x12f: {  	v35 =	vadd.s32 $0x61A8, v0;
	[tilespmem:$0x1FFC0] =	vst v3  }
0x130: {  	v32 =	vadd.s32 $0x3A98, v16;
	s6 =	sadd.s32 $0x6000, s6;
	v37 =	vadd.s32 $0x1770, v36;
	[tilespmem:s9+$0x300] =	vst v30  }
0x131: {  	v50 =	vadd.s32 $0x3E80, v16;
	v26 =	vadd.s32 $0x59D8, v16;
	s22 =	sadd.s32 s22, s6;
	v7 =	vadd.s32 $0x4268, v16;
	v22 =	vld.idx.msk [tilespmem:v22+s4+$0x0], $0xffff;
	[tilespmem:s8+$0x280] =	vst v20  }
0x132: {  	v15 =	vadd.s32 $0x7530, v16;
	v23 =	vadd.s32 $0x6590, v16;
	v21 =	vadd.s32 $0x6978, v16;
	[tilespmem:s22+$0x0] =	vst v6;
	v30 =	vld.idx.msk [tilespmem:v8+s4+$0x0], $0xffff  }
0x133: {  	v13 =	vadd.s32 $0x7918, v16;
	v24 =	vadd.s32 $0x5DC0, v16;
	v25 =	vadd.s32 $0x61A8, v16;
	[tilespmem:s5+$0x280] =	vst v33;
	v46 =	vld.idx.msk [tilespmem:v11+s4+$0x0], $0xffff  }
0x134: {  	v19 =	vadd.s32 $0x6D60, v16;
	v17 =	vadd.s32 $0x7148, v16;
	v20 =	vadd.s32 $0x3E80, v1;
	[tilespmem:s15+$0x300] =	vst v34;
	v16 =	vld.idx.msk [tilespmem:v35+s4+$0x0], $0xffff  }
0x135: {  	v3 =	vadd.s32 $0x2AF8, v36;
	v52 =	vld.idx.msk [tilespmem:v37+s4+$0x0], $0xffff;
	[tilespmem:s14+$0x380] =	vst v38  }
0x136: {  	v57 =	vld.idx.msk [tilespmem:v32+s4+$0x0], $0xffff;
	[tilespmem:$0x1FFD0] =	vst v3;
	v3 =	vadd.s32 $0x2EE0, v36  }
0x137: {  	v54 =	vadd.s32 $0x1B58, v2;
	[tilespmem:$0x1FFE0] =	vst v3  }
0x138: {  	v60 =	vadd.s32 $0x4268, v1;
	v51 =	vadd.s32 $0x1B58, v36;
	v34 =	vadd.s32 $0x6590, v0;
	[tilespmem:s17+$0x280] =	vst v22  }
0x139: {  	v49 =	vadd.s32 $0x1F40, v36;
	v47 =	vadd.s32 $0x2328, v36;
	v45 =	vadd.s32 $0x2710, v36;
	v58 =	vld.idx.msk [tilespmem:v20+s4+$0x0], $0xffff;
	[tilespmem:s9+$0x380] =	vst v30  }
0x13a: {  	v44 =	vadd.s32 $0x32C8, v36;
	v43 =	vadd.s32 $0x36B0, v36;
	v3 =	vadd.s32 $0x4A38, v36;
	v59 =	vld.idx.msk [tilespmem:v4+s4+$0x0], $0xffff;
	[tilespmem:s8+$0x300] =	vst v46  }
0x13b: {  	v48 =	vadd.s32 $0x4268, v36;
	v42 =	vadd.s32 $0x4650, v36;
	v28 =	vadd.s32 $0x6590, v36;
	v53 =	vld.idx.msk [tilespmem:v18+s4+$0x0], $0xffff;
	[tilespmem:$0x1FFF0] =	vst v3  }
0x13c: {  	v31 =	vadd.s32 $0x7918, v36;
	v6 =	vadd.s32 $0x3E80, v36;
	v33 =	vadd.s32 $0x5208, v36;
	v55 =	vld.idx.msk [tilespmem:v54+s4+$0x0], $0xffff;
	[tilespmem:s22+$0x80] =	vst v16  }
0x13d: {  	s25 =	sadd.s32 $0x4000, s16;
	v37 =	vadd.s32 $0x3A98, v36;
	v35 =	vadd.s32 $0x4E20, v36;
	v32 =	vadd.s32 $0x55F0, v36;
	[tilespmem:s5+$0x300] =	vst v52;
	v52 =	vld.idx.msk [tilespmem:v34+s4+$0x0], $0xffff  }
0x13e: {  	v11 =	vadd.s32 $0x5DC0, v36;
	v38 =	vadd.s32 $0x59D8, v36;
	v20 =	vadd.s32 $0x6D60, v36;
	s9 =	sadd.s32 s0, s25;
	[tilespmem:s15+$0x380] =	vst v57;
	v56 =	vld.idx.msk [tilespmem:v51+s4+$0x0], $0xffff  }
0x13f: {  	s10 =	simm.s32 $0x6;
	v46 =	vadd.s32 $0x61A8, v36;
	v30 =	vadd.s32 $0x6978, v36;
	v18 =	vadd.s32 $0x7148, v36;
	v54 =	vld.idx.msk [tilespmem:v50+s4+$0x0], $0xffff;
	[tilespmem:s9+$0x0] =	vst v58  }
0x140: {  	s23 =	sadd.s32 s23, s6;
	s6 =	sadd.s32 s1, s25;
	s11 =	simm.s32 $0x400;
	v16 =	vadd.s32 $0x7530, v36;
	v57 =	vadd.s32 $0x1F40, v2;
	v50 =	vadd.s32 $0x6978, v0;
	[tilespmem:s17+$0x300] =	vst v59;
	v51 =	vld.idx.msk [tilespmem:v60+s4+$0x0], $0xffff  }
.LBB2_5:
0x141: {  	[tilespmem:$0x1FEC0] =	vst v27  }
0x142: {  	[tilespmem:$0x1FF20] =	vst v11  }
0x143: {  	[tilespmem:$0x1FEE0] =	vst v37  }
0x144: {  	[tilespmem:$0x1FF40] =	vst v6  }
0x145: {  	[tilespmem:$0x1FF10] =	vst v24  }
0x146: {  	[tilespmem:s23+$0x0] =	vst v53  }
0x147: {  	s25 =	sand.u32 $0x1C00, s11;
	s21 =	sadd.s32 $0x20, s21;
	[tilespmem:s8+$0x380] =	vst v55;
	v3 =	vmov v46  }
0x148: {  	s13 =	sand.u32 $0x60, s21;
	s12 =	sshrl.u32 s25, $0x2;
	[tilespmem:$0x1FEF0] =	vst v3;
	v60 =	vld.idx.msk [tilespmem:v57+s4+$0x0], $0xffff  }
0x149: {  	v36 =	vadd.s32 $0x4650, v1;
	s15 =	sadd.s32 s12, s31;
	s14 =	sor.u32 $0x10, s13;
	[tilespmem:s22+$0x100] =	vst v52;
	v53 =	vld.idx.msk [tilespmem:v10+s4+$0x0], $0xffff  }
0x14a: {  	s8 =	sadd.s32 s14, s15;
	v59 =	vld.idx.msk [tilespmem:v9+s4+$0x0], $0xffff;
	[tilespmem:s5+$0x380] =	vst v56  }
0x14b: {  	v61 =	vadd.s32 $0x2328, v2;
	v3 =	vld [tilespmem:s8+$0x0];
	[tilespmem:s6+$0x0] =	vst v54  }
0x14c: {  	s12 =	sadd.s32 s13, s15;
	v4 =	vmov v25;
	v50 =	vld.idx.msk [tilespmem:v50+s4+$0x0], $0xffff;
	[tilespmem:s9+$0x80] =	vst v51  }
0x14d: {  	v5 =	vmov v13;
	v34 =	vadd.s32 $0x6D60, v0;
	s15 =	sadd.s32 $0x2000, s20;
	[tilespmem:$0x1FF50] =	vst v4;
	v4 =	vld [tilespmem:s12+$0x0]  }
0x14e: {  	[tilespmem:$0x1FEB0] =	vst v5;
	v36 =	vld.idx.msk [tilespmem:v36+s4+$0x0], $0xffff;
	s12 =	sadd.s32 s18, s15;
	s15 =	sadd.s32 s19, s15  }
0x14f: {  	[tilespmem:s15+$0x0] =	vst v60  }
0x150: {  	v5 =	vmov v48;
	v48 =	vld.idx.msk [tilespmem:v61+s4+$0x0], $0xffff;
	[tilespmem:s17+$0x380] =	vst v53  }
0x151: {  	v54 =	vadd.s32 $0x4A38, v1;
	s17 =	smov.u32 s23;
	[tilespmem:s22+$0x180] =	vst v50;
	v53 =	vld.idx.msk [tilespmem:v49+s4+$0x0], $0xffff  }
0x152: {  	v61 =	vadd.s32 $0x2710, v2;
	[tilespmem:s17+$0x80] =	vst v59;
	v58 =	vld.idx.msk [tilespmem:v34+s4+$0x0], $0xffff  }
0x153: {  	v34 =	vld.idx.msk [tilespmem:v3+s4+$0x0], $0xffff;
	[tilespmem:s9+$0x100] =	vst v36;
	v36 =	vadd.s32 $0x7148, v0  }
0x154: {  	[tilespmem:$0x1FF70] =	vst v5;
	v46 =	vld.idx.msk [tilespmem:v7+s4+$0x0], $0xffff;
	v7 =	vadd.s32 $0x1B58, v4  }
0x155: {  	[tilespmem:$0x1FF30] =	vst v7  }
0x156: {  	v6 =	vmov v12;
	v7 =	vld.idx.msk [tilespmem:v54+s4+$0x0], $0xffff;
	[tilespmem:s15+$0x80] =	vst v48  }
0x157: {  	s25 =	sadd.s32 s25, s30;
	v25 =	vmov v14;
	v14 =	vld.idx.msk [tilespmem:v61+s4+$0x0], $0xffff;
	[tilespmem:s22+$0x200] =	vst v58  }
0x158: {  	v37 =	vmovc v30;
	v30 =	vmovc v63;
	v13 =	vadd.s32 $0x4E20, v1;
	v24 =	vmov v17;
	v39 =	vmov v32;
	s8 =	sadd.s32 s14, s25;
	[tilespmem:$0x1FF60] =	vst v6;
	v17 =	vld.idx.msk [tilespmem:v36+s4+$0x0], $0xffff  }
0x159: {  	v32 =	vmovc v19;
	v19 =	vadd.s32 $0x2AF8, v2;
	v6 =	vmovc v23;
	v11 =	vadd.s32 $0x3E8, v3;
	[tilespmem:s8+$0x0] =	vst v34;
	v34 =	vmov v20;
	v20 =	vld [tilespmem:$0x1FF80]  }
0x15a: {  	v52 =	vmovc v26;
	v26 =	vmovc v62;
	[tilespmem:$0x1FF00] =	vst v6;
	v56 =	vadd.s32 $0x3E8, v4;
	v5 =	vadd.s32 $0x7D0, v4;
	v63 =	vadd.s32 $0xBB8, v4;
	v62 =	vld.idx.msk [tilespmem:v29+s4+$0x0], $0xffff  }
0x15b: {  	v59 =	vadd.s32 $0xFA0, v4;
	v55 =	vadd.s32 $0x1388, v4;
	v6 =	vadd.s32 $0x1770, v4;
	[tilespmem:s12+$0x0] =	vst v53  }
0x15c: {  	v49 =	vadd.s32 $0x1F40, v4;
	v40 =	vadd.s32 $0x2328, v4;
	v9 =	vadd.s32 $0x2AF8, v4;
	v8 =	vld.idx.msk [tilespmem:v4+s4+$0x0], $0xffff;
	[tilespmem:s6+$0x80] =	vst v46  }
0x15d: {  	v27 =	vmovc v31;
	v10 =	vadd.s32 $0x2EE0, v4;
	v60 =	vadd.s32 $0x32C8, v4;
	v57 =	vadd.s32 $0x36B0, v4;
	[tilespmem:$0x1FED0] =	vst v6;
	v12 =	vld.idx.msk [tilespmem:v47+s4+$0x0], $0xffff  }
0x15e: {  	v41 =	vmovc v35;
	v50 =	vmovc v16;
	v51 =	vadd.s32 $0x3E80, v4;
	v16 =	vadd.s32 $0x4E20, v4;
	v31 =	vadd.s32 $0x7918, v4;
	v11 =	vld.idx.msk [tilespmem:v11+s4+$0x0], $0xffff;
	[tilespmem:s9+$0x180] =	vst v7  }
0x15f: {  	v35 =	vmovc v28;
	v6 =	vadd.s32 $0x2710, v4;
	v29 =	vmovc v15;
	v15 =	vadd.s32 $0x4A38, v4;
	v48 =	vadd.s32 $0x4268, v4;
	[tilespmem:s17+$0x100] =	vst v62;
	v13 =	vld.idx.msk [tilespmem:v13+s4+$0x0], $0xffff  }
0x160: {  	v22 =	vmovc v42;
	v28 =	vmovc v33;
	s5 =	sadd.s32 s13, s25;
	v54 =	vadd.s32 $0x5DC0, v4;
	v61 =	vadd.s32 $0x7148, v4;
	v58 =	vadd.s32 $0x4650, v4;
	[tilespmem:s15+$0x100] =	vst v14;
	v14 =	vld [tilespmem:$0x1FF90]  }
0x161: {  	v33 =	vmovc v21;
	v53 =	vadd.s32 $0x3A98, v4;
	v42 =	vmovc v58;
	v58 =	vadd.s32 $0x59D8, v4;
	v46 =	vadd.s32 $0x61A8, v4;
	v20 =	vld.idx.msk [tilespmem:v20+s4+$0x0], $0xffff;
	[tilespmem:s5+$0x0] =	vst v8  }
0x162: {  	v47 =	vmovc v40;
	v36 =	vmovc v18;
	v18 =	vadd.s32 $0x5208, v4;
	v62 =	vadd.s32 $0x55F0, v4;
	v40 =	vadd.s32 $0x6590, v4;
	v21 =	vld.idx.msk [tilespmem:v56+s4+$0x0], $0xffff;
	[tilespmem:s12+$0x80] =	vst v12  }
0x163: {  	[tilespmem:$0x1FF80] =	vst v22;
	v22 =	vadd.s32 $0x6D60, v4;
	v8 =	vadd.s32 $0x6978, v4;
	v56 =	vadd.s32 $0x7530, v4;
	v4 =	vld.idx.msk [tilespmem:v45+s4+$0x0], $0xffff  }
0x164: {  	v7 =	vadd.s32 $0x7530, v0;
	v45 =	vmov v6;
	v6 =	vld.idx.msk [tilespmem:v19+s4+$0x0], $0xffff  }
0x165: {  	v19 =	vld [tilespmem:$0x1FFF0];
	_ =	sdelay $0x2  }
0x166: {  	v23 =	vadd.s32 $0x7D0, v3;
	[tilespmem:s22+$0x280] =	vst v17  }
0x167: {  	v7 =	vld.idx.msk [tilespmem:v7+s4+$0x0], $0xffff;
	[tilespmem:s8+$0x80] =	vst v11  }
0x168: {  	[tilespmem:s6+$0x100] =	vst v20;
	v17 =	vmov v19  }
0x169: {  	v12 =	vadd.s32 $0x5208, v1;
	v14 =	vld.idx.msk [tilespmem:v14+s4+$0x0], $0xffff;
	[tilespmem:s5+$0x80] =	vst v21  }
0x16a: {  	v11 =	vadd.s32 $0x2EE0, v2;
	[tilespmem:$0x1FF90] =	vst v17  }
0x16b: {  	v17 =	vmov v15;
	v15 =	vld.idx.msk [tilespmem:v23+s4+$0x0], $0xffff;
	[tilespmem:s9+$0x200] =	vst v13;
	v13 =	vadd.s32 $0x7918, v0  }
0x16c: {  	v5 =	vld.idx.msk [tilespmem:v5+s4+$0x0], $0xffff;
	[tilespmem:s12+$0x100] =	vst v4  }
0x16d: {  	v4 =	vld [tilespmem:$0x1FFD0];
	[tilespmem:$0x1FFF0] =	vst v17  }
0x16e: {  	v0 =	vmov v1;
	v1 =	vmov v2;
	v2 =	vmov v3;
	v3 =	vld.idx.msk [tilespmem:v12+s4+$0x0], $0xffff;
	[tilespmem:s15+$0x180] =	vst v6  }
0x16f: {  	v17 =	vmov v9;
	v9 =	vld.idx.msk [tilespmem:v11+s4+$0x0], $0xffff;
	[tilespmem:s22+$0x300] =	vst v7  }
0x170: {  	v7 =	vld.idx.msk [tilespmem:v13+s4+$0x0], $0xffff  }
0x171: {  	v13 =	vld [tilespmem:$0x1FFA0];
	_ =	sdelay $0x1  }
0x172: {  	v12 =	vadd.s32 $0xBB8, v2;
	_ =	sdelay $0x2  }
0x173: {  	v4 =	vld.idx.msk [tilespmem:v4+s4+$0x0], $0xffff  }
0x174: {  	v6 =	vadd.s32 $0x55F0, v0;
	[tilespmem:s8+$0x100] =	vst v15  }
0x175: {  	v11 =	vadd.s32 $0x32C8, v1;
	[tilespmem:s6+$0x180] =	vst v14;
	v12 =	vld.idx.msk [tilespmem:v12+s4+$0x0], $0xffff  }
0x176: {  	v13 =	vld.idx.msk [tilespmem:v13+s4+$0x0], $0xffff;
	[tilespmem:s5+$0x100] =	vst v5  }
0x177: {  	v14 =	vmov v41;
	[tilespmem:s9+$0x280] =	vst v3;
	v5 =	vld.idx.msk [tilespmem:v63+s4+$0x0], $0xffff  }
0x178: {  	[tilespmem:s12+$0x180] =	vst v4;
	v4 =	vld [tilespmem:$0x1FFE0]  }
0x179: {  	v3 =	vld.idx.msk [tilespmem:v6+s4+$0x0], $0xffff;
	[tilespmem:s15+$0x200] =	vst v9  }
0x17a: {  	[tilespmem:$0x1FFA0] =	vst v14;
	v14 =	vmov v10;
	v10 =	vld.idx.msk [tilespmem:v11+s4+$0x0], $0xffff  }
0x17b: {  	v11 =	vld [tilespmem:$0x1FFB0];
	_ =	sdelay $0x4  }
0x17c: {  	v4 =	vld.idx.msk [tilespmem:v4+s4+$0x0], $0xffff  }
0x17d: {  	[tilespmem:s6+$0x200] =	vst v13  }
0x17e: {  	[tilespmem:s22+$0x380] =	vst v7;
	v7 =	vld.idx.msk [tilespmem:v30+s4+$0x0], $0xffff  }
0x17f: {  	v11 =	vld.idx.msk [tilespmem:v11+s4+$0x0], $0xffff  }
0x180: {  	[tilespmem:s5+$0x180] =	vst v5  }
0x181: {  	v5 =	vld.idx.msk [tilespmem:v59+s4+$0x0], $0xffff;
	[tilespmem:s12+$0x200] =	vst v4  }
0x182: {  	v4 =	vld.idx.msk [tilespmem:v44+s4+$0x0], $0xffff  }
0x183: {  	[tilespmem:s17+$0x180] =	vst v7;
	v7 =	vld [tilespmem:$0x1FEC0]  }
0x184: {  	[tilespmem:s6+$0x280] =	vst v11;
	v11 =	vld [tilespmem:$0x1FFC0];
	_ =	sdelay $0x3  }
0x185: {  	v6 =	vadd.s32 $0xFA0, v2;
	_ =	sdelay $0x2  }
0x186: {  	v7 =	vld.idx.msk [tilespmem:v7+s4+$0x0], $0xffff  }
0x187: {  	v9 =	vadd.s32 $0x59D8, v0;
	[tilespmem:s8+$0x180] =	vst v12;
	v11 =	vld.idx.msk [tilespmem:v11+s4+$0x0], $0xffff  }
0x188: {  	v6 =	vld.idx.msk [tilespmem:v6+s4+$0x0], $0xffff;
	[tilespmem:s9+$0x300] =	vst v3  }
0x189: {  	[tilespmem:s5+$0x200] =	vst v5  }
0x18a: {  	v5 =	vld.idx.msk [tilespmem:v55+s4+$0x0], $0xffff;
	[tilespmem:s12+$0x280] =	vst v4  }
0x18b: {  	v30 =	vmov v8;
	v8 =	vadd.s32 $0x36B0, v1;
	v4 =	vld.idx.msk [tilespmem:v43+s4+$0x0], $0xffff;
	[tilespmem:s17+$0x200] =	vst v7  }
0x18c: {  	v3 =	vld.idx.msk [tilespmem:v9+s4+$0x0], $0xffff;
	[tilespmem:s6+$0x300] =	vst v11  }
0x18d: {  	v9 =	vadd.s32 $0x1388, v2;
	v7 =	vld.idx.msk [tilespmem:v26+s4+$0x0], $0xffff  }
0x18e: {  	[tilespmem:s15+$0x280] =	vst v10;
	v11 =	vld.idx.msk [tilespmem:v52+s4+$0x0], $0xffff  }
0x18f: {  	v10 =	vadd.s32 $0x5DC0, v0;
	[tilespmem:s5+$0x280] =	vst v5;
	v5 =	vld [tilespmem:$0x1FED0]  }
0x190: {  	v8 =	vld.idx.msk [tilespmem:v8+s4+$0x0], $0xffff  }
0x191: {  	[tilespmem:s8+$0x200] =	vst v6;
	v6 =	vadd.s32 $0x3A98, v1  }
0x192: {  	v9 =	vld.idx.msk [tilespmem:v9+s4+$0x0], $0xffff  }
0x193: {  	[tilespmem:s9+$0x380] =	vst v3  }
0x194: {  	v3 =	vld.idx.msk [tilespmem:v10+s4+$0x0], $0xffff;
	v10 =	vadd.s32 $0x1770, v2  }
0x195: {  	[tilespmem:s15+$0x300] =	vst v8;
	v8 =	vadd.s32 $0x61A8, v0  }
0x196: {  	v6 =	vld.idx.msk [tilespmem:v6+s4+$0x0], $0xffff  }
0x197: {  	s22 =	sadd.s32 $0x6000, s16;
	[tilespmem:s8+$0x280] =	vst v9;
	v5 =	vld.idx.msk [tilespmem:v5+s4+$0x0], $0xffff  }
0x198: {  	s23 =	sadd.s32 s1, s22;
	s22 =	sadd.s32 s0, s22;
	[tilespmem:s12+$0x300] =	vst v4;
	v4 =	vld [tilespmem:$0x1FEE0]  }
0x199: {  	v9 =	vadd.s32 $0x3E80, v1;
	v10 =	vld.idx.msk [tilespmem:v10+s4+$0x0], $0xffff;
	[tilespmem:s22+$0x0] =	vst v3  }
0x19a: {  	v3 =	vld.idx.msk [tilespmem:v8+s4+$0x0], $0xffff;
	v8 =	vadd.s32 $0x1B58, v2;
	_ =	sdelay $0x2  }
0x19b: {  	[tilespmem:s15+$0x380] =	vst v6  }
0x19c: {  	v9 =	vld.idx.msk [tilespmem:v9+s4+$0x0], $0xffff;
	[tilespmem:s8+$0x300] =	vst v10  }
0x19d: {  	v55 =	vld.idx.msk [tilespmem:v8+s4+$0x0], $0xffff  }
0x19e: {  	v4 =	vld.idx.msk [tilespmem:v4+s4+$0x0], $0xffff  }
0x19f: {  	[tilespmem:s6+$0x380] =	vst v11;
	v11 =	vld [tilespmem:$0x1FF10]  }
0x1a0: {  	[tilespmem:s22+$0x80] =	vst v3;
	v3 =	vld [tilespmem:$0x1FF30];
	_ =	sdelay $0x3  }
0x1a1: {  	[tilespmem:$0x1FFE0] =	vst v14;
	v14 =	vmov v28  }
0x1a2: {  	v12 =	vld [tilespmem:$0x1FEB0];
	[tilespmem:s17+$0x280] =	vst v7  }
0x1a3: {  	[tilespmem:$0x1FFB0] =	vst v14;
	v6 =	vadd.s32 $0x6590, v0;
	v7 =	vld.idx.msk [tilespmem:v25+s4+$0x0], $0xffff  }
0x1a4: {  	v21 =	vmov v37;
	v37 =	vmov v53;
	v14 =	vmov v39;
	v53 =	vld.idx.msk [tilespmem:v11+s4+$0x0], $0xffff;
	[tilespmem:s5+$0x300] =	vst v5  }
0x1a5: {  	v23 =	vmov v35;
	v35 =	vmov v16;
	v16 =	vmov v56;
	v56 =	vld.idx.msk [tilespmem:v3+s4+$0x0], $0xffff  }
0x1a6: {  	v10 =	vadd.s32 $0x4268, v1;
	v3 =	vld [tilespmem:$0x1FF40]  }
0x1a7: {  	s16 =	smov.u32 s20;
	[tilespmem:$0x1FFC0] =	vst v14;
	v14 =	vmov v29;
	v29 =	vld [tilespmem:$0x1FF00]  }
0x1a8: {  	s20 =	smov.u32 s25;
	s0 =	smov.u32 s19;
	s25 =	sadd.s32 $0x4000, s16;
	v52 =	vld.idx.msk [tilespmem:v6+s4+$0x0], $0xffff  }
0x1a9: {  	s10 =	sadd.s32 $0x2, s10;
	s9 =	sadd.s32 s0, s25;
	v11 =	vld [tilespmem:$0x1FF20]  }
0x1aa: {  	p1 =	slt.u32 s10, $0x3E;
	[tilespmem:s9+$0x0] =	vst v9;
	v9 =	vld [tilespmem:$0x1FF50]  }
.Ltmp5:
0x1ab: {  	v6 =	vmov v51;
	v51 =	vld.idx.msk [tilespmem:v10+s4+$0x0], $0xffff;
	(pc) =	sbr.rel @p1 .LBB2_5-.Ltmp5, $4  }
0x1ac: {  	v20 =	vmovc v22;
	v19 =	vmovc v34;
	[tilespmem:$0x1FFD0] =	vst v17;
	v15 =	vmov v50;
	v50 =	vadd.s32 $0x6978, v0;
	v17 =	vmov v36;
	v10 =	vld [tilespmem:$0x1FF60]  }
0x1ad: {  	v63 =	vmovc v33;
	v28 =	vmovc v40;
	v33 =	vmov v18;
	v18 =	vmov v61;
	v13 =	vmov v27;
	v25 =	vld [tilespmem:$0x1FEF0];
	[tilespmem:s12+$0x380] =	vst v4  }
0x1ae: {  	s11 =	sadd.s32 $0x100, s11;
	s1 =	smov.u32 s18;
	v27 =	vmovc v32;
	v32 =	vmovc v62;
	v62 =	vmov v24;
	v24 =	vmov v11;
	v11 =	vmov v54;
	v54 =	vld.idx.msk [tilespmem:v3+s4+$0x0], $0xffff  }
0x1af: {  	s18 =	smov.u32 s13;
	s19 =	smov.u32 s14;
	v44 =	vmovc v60;
	v43 =	vmovc v57;
	v57 =	vadd.s32 $0x1F40, v2;
	v26 =	vmov v38;
	v38 =	vmov v58;
	s6 =	sadd.s32 s1, s25;
	[tilespmem:s17+$0x300] =	vst v7;
	v7 =	vld [tilespmem:$0x1FF70]  }
0x1b0: {  	_ =	sdelay $0x2  }
0x1b1: {  	[tilespmem:s8+$0x380] =	vst v55  }
0x1b2: {  	[tilespmem:s5+$0x380] =	vst v56;
	v3 =	vld.idx.msk [tilespmem:v57+s4+$0x0], $0xffff  }
0x1b3: {  	v4 =	vadd.s32 $0x2328, v2;
	v5 =	vld.idx.msk [tilespmem:v49+s4+$0x0], $0xffff;
	_ =	sdelay $0x1  }
0x1b4: {  	s12 =	sadd.s32 $0x2000, s20  }
0x1b5: {  	s13 =	sadd.s32 s19, s12  }
0x1b6: {  	s5 =	sadd.s32 s18, s12;
	[tilespmem:s13+$0x0] =	vst v3  }
0x1b7: {  	[tilespmem:s5+$0x0] =	vst v5;
	v3 =	vld.idx.msk [tilespmem:v4+s4+$0x0], $0xffff  }
0x1b8: {  	v34 =	vadd.s32 $0x2710, v2;
	v5 =	vld.idx.msk [tilespmem:v47+s4+$0x0], $0xffff;
	_ =	sdelay $0x3  }
0x1b9: {  	[tilespmem:s13+$0x80] =	vst v3  }
0x1ba: {  	[tilespmem:s5+$0x80] =	vst v5;
	v3 =	vld.idx.msk [tilespmem:v34+s4+$0x0], $0xffff  }
0x1bb: {  	v5 =	vld.idx.msk [tilespmem:v45+s4+$0x0], $0xffff;
	_ =	sdelay $0x3  }
0x1bc: {  	[tilespmem:s13+$0x100] =	vst v3  }
0x1bd: {  	[tilespmem:s5+$0x100] =	vst v5  }
0x1be: {  	v5 =	vld [tilespmem:$0x1FFD0];
	_ =	sdelay $0x1  }
0x1bf: {  	v36 =	vadd.s32 $0x2AF8, v2;
	_ =	sdelay $0x4  }
0x1c0: {  	v3 =	vld.idx.msk [tilespmem:v36+s4+$0x0], $0xffff  }
0x1c1: {  	v5 =	vld.idx.msk [tilespmem:v5+s4+$0x0], $0xffff;
	_ =	sdelay $0x3  }
0x1c2: {  	[tilespmem:s13+$0x180] =	vst v3  }
0x1c3: {  	[tilespmem:s5+$0x180] =	vst v5  }
0x1c4: {  	v5 =	vld [tilespmem:$0x1FFE0];
	_ =	sdelay $0x1  }
0x1c5: {  	v39 =	vadd.s32 $0x2EE0, v2;
	_ =	sdelay $0x4  }
0x1c6: {  	v3 =	vld.idx.msk [tilespmem:v39+s4+$0x0], $0xffff  }
0x1c7: {  	v40 =	vadd.s32 $0x32C8, v2;
	v5 =	vld.idx.msk [tilespmem:v5+s4+$0x0], $0xffff;
	_ =	sdelay $0x3  }
0x1c8: {  	[tilespmem:s13+$0x200] =	vst v3  }
0x1c9: {  	v3 =	vld.idx.msk [tilespmem:v40+s4+$0x0], $0xffff;
	[tilespmem:s5+$0x200] =	vst v5  }
0x1ca: {  	v41 =	vadd.s32 $0x36B0, v2;
	v5 =	vld.idx.msk [tilespmem:v44+s4+$0x0], $0xffff;
	_ =	sdelay $0x3  }
0x1cb: {  	[tilespmem:s13+$0x280] =	vst v3  }
0x1cc: {  	v3 =	vld.idx.msk [tilespmem:v41+s4+$0x0], $0xffff;
	[tilespmem:s5+$0x280] =	vst v5  }
0x1cd: {  	v44 =	vadd.s32 $0x3A98, v2;
	v5 =	vld.idx.msk [tilespmem:v43+s4+$0x0], $0xffff;
	_ =	sdelay $0x3  }
0x1ce: {  	[tilespmem:s13+$0x300] =	vst v3  }
0x1cf: {  	v3 =	vld.idx.msk [tilespmem:v44+s4+$0x0], $0xffff;
	[tilespmem:s5+$0x300] =	vst v5  }
0x1d0: {  	v45 =	vadd.s32 $0x3E80, v2;
	v5 =	vld.idx.msk [tilespmem:v37+s4+$0x0], $0xffff;
	_ =	sdelay $0x2  }
0x1d1: {  	[tilespmem:s6+$0x0] =	vst v54  }
0x1d2: {  	v7 =	vld.idx.msk [tilespmem:v7+s4+$0x0], $0xffff;
	[tilespmem:s13+$0x380] =	vst v3  }
0x1d3: {  	v3 =	vld.idx.msk [tilespmem:v45+s4+$0x0], $0xffff;
	[tilespmem:s5+$0x380] =	vst v5  }
0x1d4: {  	v5 =	vld.idx.msk [tilespmem:v6+s4+$0x0], $0xffff;
	_ =	sdelay $0x1  }
0x1d5: {  	s14 =	sadd.s32 $0x4000, s20;
	[tilespmem:s9+$0x80] =	vst v51  }
0x1d6: {  	s15 =	sadd.s32 s19, s14;
	[tilespmem:s6+$0x80] =	vst v7  }
0x1d7: {  	s8 =	sadd.s32 s18, s14;
	[tilespmem:s15+$0x0] =	vst v3  }
0x1d8: {  	[tilespmem:s8+$0x0] =	vst v5  }
0x1d9: {  	v47 =	vadd.s32 $0x4268, v2;
	v8 =	vld [tilespmem:$0x1FF80]  }
0x1da: {  	v49 =	vadd.s32 $0x4650, v1;
	_ =	sdelay $0x3  }
0x1db: {  	v3 =	vld.idx.msk [tilespmem:v47+s4+$0x0], $0xffff  }
0x1dc: {  	v6 =	vld.idx.msk [tilespmem:v49+s4+$0x0], $0xffff  }
0x1dd: {  	v5 =	vld.idx.msk [tilespmem:v48+s4+$0x0], $0xffff  }
0x1de: {  	v8 =	vld.idx.msk [tilespmem:v8+s4+$0x0], $0xffff;
	_ =	sdelay $0x1  }
0x1df: {  	[tilespmem:s15+$0x80] =	vst v3  }
0x1e0: {  	[tilespmem:s9+$0x100] =	vst v6  }
0x1e1: {  	[tilespmem:s8+$0x80] =	vst v5  }
0x1e2: {  	[tilespmem:s6+$0x100] =	vst v8  }
0x1e3: {  	v54 =	vadd.s32 $0x4650, v2;
	v8 =	vld [tilespmem:$0x1FF90];
	_ =	sdelay $0x1  }
0x1e4: {  	v55 =	vadd.s32 $0x4A38, v1;
	_ =	sdelay $0x2  }
0x1e5: {  	v3 =	vld.idx.msk [tilespmem:v54+s4+$0x0], $0xffff  }
0x1e6: {  	v5 =	vld.idx.msk [tilespmem:v42+s4+$0x0], $0xffff  }
0x1e7: {  	v6 =	vld.idx.msk [tilespmem:v55+s4+$0x0], $0xffff  }
0x1e8: {  	v8 =	vld.idx.msk [tilespmem:v8+s4+$0x0], $0xffff;
	_ =	sdelay $0x1  }
0x1e9: {  	[tilespmem:s15+$0x100] =	vst v3  }
0x1ea: {  	[tilespmem:s8+$0x100] =	vst v5  }
0x1eb: {  	v5 =	vld [tilespmem:$0x1FFF0];
	[tilespmem:s9+$0x180] =	vst v6  }
0x1ec: {  	[tilespmem:s6+$0x180] =	vst v8  }
0x1ed: {  	v56 =	vadd.s32 $0x4A38, v2;
	v8 =	vld [tilespmem:$0x1FFA0];
	_ =	sdelay $0x1  }
0x1ee: {  	v57 =	vadd.s32 $0x4E20, v1;
	_ =	sdelay $0x2  }
0x1ef: {  	v3 =	vld.idx.msk [tilespmem:v56+s4+$0x0], $0xffff  }
0x1f0: {  	v5 =	vld.idx.msk [tilespmem:v5+s4+$0x0], $0xffff  }
0x1f1: {  	v6 =	vld.idx.msk [tilespmem:v57+s4+$0x0], $0xffff  }
0x1f2: {  	v8 =	vld.idx.msk [tilespmem:v8+s4+$0x0], $0xffff;
	_ =	sdelay $0x1  }
0x1f3: {  	[tilespmem:s15+$0x180] =	vst v3  }
0x1f4: {  	[tilespmem:s8+$0x180] =	vst v5  }
0x1f5: {  	[tilespmem:s9+$0x200] =	vst v6  }
0x1f6: {  	[tilespmem:s6+$0x200] =	vst v8  }
0x1f7: {  	v58 =	vadd.s32 $0x4E20, v2;
	v8 =	vld [tilespmem:$0x1FFB0];
	_ =	sdelay $0x1  }
0x1f8: {  	v59 =	vadd.s32 $0x5208, v1;
	_ =	sdelay $0x2  }
0x1f9: {  	v3 =	vld.idx.msk [tilespmem:v58+s4+$0x0], $0xffff  }
0x1fa: {  	v5 =	vld.idx.msk [tilespmem:v35+s4+$0x0], $0xffff  }
0x1fb: {  	v6 =	vld.idx.msk [tilespmem:v59+s4+$0x0], $0xffff  }
0x1fc: {  	v60 =	vadd.s32 $0x5208, v2;
	v8 =	vld.idx.msk [tilespmem:v8+s4+$0x0], $0xffff;
	_ =	sdelay $0x1  }
0x1fd: {  	[tilespmem:s15+$0x200] =	vst v3  }
0x1fe: {  	[tilespmem:s8+$0x200] =	vst v5  }
0x1ff: {  	[tilespmem:s9+$0x280] =	vst v6  }
0x200: {  	v3 =	vld.idx.msk [tilespmem:v60+s4+$0x0], $0xffff;
	[tilespmem:s6+$0x280] =	vst v8  }
0x201: {  	v61 =	vadd.s32 $0x55F0, v1;
	v8 =	vld [tilespmem:$0x1FFC0]  }
0x202: {  	v22 =	vadd.s32 $0x55F0, v2;
	v5 =	vld.idx.msk [tilespmem:v33+s4+$0x0], $0xffff;
	_ =	sdelay $0x3  }
0x203: {  	v6 =	vld.idx.msk [tilespmem:v61+s4+$0x0], $0xffff;
	[tilespmem:s15+$0x280] =	vst v3  }
0x204: {  	v34 =	vadd.s32 $0x59D8, v1;
	[tilespmem:s8+$0x280] =	vst v5;
	v3 =	vld.idx.msk [tilespmem:v22+s4+$0x0], $0xffff  }
0x205: {  	v35 =	vadd.s32 $0x59D8, v2;
	v5 =	vld.idx.msk [tilespmem:v32+s4+$0x0], $0xffff  }
0x206: {  	v8 =	vld.idx.msk [tilespmem:v8+s4+$0x0], $0xffff;
	_ =	sdelay $0x1  }
0x207: {  	[tilespmem:s9+$0x300] =	vst v6  }
0x208: {  	v6 =	vld.idx.msk [tilespmem:v34+s4+$0x0], $0xffff;
	[tilespmem:s15+$0x300] =	vst v3  }
0x209: {  	v36 =	vadd.s32 $0x5DC0, v1;
	[tilespmem:s8+$0x300] =	vst v5;
	v3 =	vld.idx.msk [tilespmem:v35+s4+$0x0], $0xffff  }
0x20a: {  	v37 =	vadd.s32 $0x5DC0, v2;
	v5 =	vld.idx.msk [tilespmem:v38+s4+$0x0], $0xffff;
	[tilespmem:s6+$0x300] =	vst v8  }
0x20b: {  	v8 =	vld.idx.msk [tilespmem:v26+s4+$0x0], $0xffff;
	_ =	sdelay $0x1  }
0x20c: {  	[tilespmem:s9+$0x380] =	vst v6  }
0x20d: {  	v6 =	vld.idx.msk [tilespmem:v36+s4+$0x0], $0xffff;
	[tilespmem:s15+$0x380] =	vst v3  }
0x20e: {  	v38 =	vadd.s32 $0x61A8, v1;
	[tilespmem:s8+$0x380] =	vst v5;
	v3 =	vld.idx.msk [tilespmem:v37+s4+$0x0], $0xffff  }
0x20f: {  	v39 =	vadd.s32 $0x61A8, v2;
	v5 =	vld.idx.msk [tilespmem:v11+s4+$0x0], $0xffff;
	[tilespmem:s6+$0x380] =	vst v8  }
0x210: {  	s21 =	sadd.s32 $0x6000, s16;
	v8 =	vld.idx.msk [tilespmem:v24+s4+$0x0], $0xffff  }
0x211: {  	s25 =	sadd.s32 $0x6000, s20;
	s0 =	sadd.s32 s0, s21;
	[tilespmem:s23+$0x0] =	vst v53  }
0x212: {  	s31 =	sadd.s32 s19, s25;
	v9 =	vld.idx.msk [tilespmem:v9+s4+$0x0], $0xffff;
	[tilespmem:s0+$0x0] =	vst v6  }
0x213: {  	v6 =	vld.idx.msk [tilespmem:v38+s4+$0x0], $0xffff;
	[tilespmem:s31+$0x0] =	vst v3;
	s6 =	sadd.s32 s18, s25  }
0x214: {  	s1 =	sadd.s32 s1, s21;
	v40 =	vadd.s32 $0x6590, v1;
	v3 =	vld.idx.msk [tilespmem:v39+s4+$0x0], $0xffff;
	[tilespmem:s6+$0x0] =	vst v5  }
0x215: {  	v41 =	vadd.s32 $0x6590, v2;
	v5 =	vld.idx.msk [tilespmem:v46+s4+$0x0], $0xffff;
	[tilespmem:s1+$0x0] =	vst v8  }
0x216: {  	[tilespmem:s22+$0x100] =	vst v52;
	v8 =	vld.idx.msk [tilespmem:v25+s4+$0x0], $0xffff  }
0x217: {  	v10 =	vld.idx.msk [tilespmem:v10+s4+$0x0], $0xffff;
	[tilespmem:s23+$0x80] =	vst v9  }
0x218: {  	v9 =	vld.idx.msk [tilespmem:v29+s4+$0x0], $0xffff;
	[tilespmem:s0+$0x80] =	vst v6  }
0x219: {  	v6 =	vld.idx.msk [tilespmem:v40+s4+$0x0], $0xffff;
	[tilespmem:s31+$0x80] =	vst v3  }
0x21a: {  	v42 =	vadd.s32 $0x6978, v1;
	v3 =	vld.idx.msk [tilespmem:v41+s4+$0x0], $0xffff;
	[tilespmem:s6+$0x80] =	vst v5  }
0x21b: {  	v43 =	vadd.s32 $0x6978, v2;
	v5 =	vld.idx.msk [tilespmem:v28+s4+$0x0], $0xffff;
	[tilespmem:s1+$0x80] =	vst v8  }
0x21c: {  	[tilespmem:s17+$0x380] =	vst v10;
	v8 =	vld.idx.msk [tilespmem:v23+s4+$0x0], $0xffff  }
0x21d: {  	v44 =	vld.idx.msk [tilespmem:v50+s4+$0x0], $0xffff;
	[tilespmem:s23+$0x100] =	vst v9  }
0x21e: {  	v45 =	vadd.s32 $0x6D60, v0;
	v46 =	vld.idx.msk [tilespmem:v63+s4+$0x0], $0xffff;
	[tilespmem:s0+$0x100] =	vst v6  }
0x21f: {  	v6 =	vld.idx.msk [tilespmem:v42+s4+$0x0], $0xffff;
	[tilespmem:s31+$0x100] =	vst v3  }
0x220: {  	v47 =	vadd.s32 $0x6D60, v1;
	v3 =	vld.idx.msk [tilespmem:v43+s4+$0x0], $0xffff;
	[tilespmem:s6+$0x100] =	vst v5  }
0x221: {  	v48 =	vadd.s32 $0x6D60, v2;
	v5 =	vld.idx.msk [tilespmem:v30+s4+$0x0], $0xffff;
	[tilespmem:s1+$0x100] =	vst v8  }
0x222: {  	[tilespmem:s22+$0x180] =	vst v44;
	v8 =	vld.idx.msk [tilespmem:v21+s4+$0x0], $0xffff  }
0x223: {  	v9 =	vld.idx.msk [tilespmem:v45+s4+$0x0], $0xffff;
	[tilespmem:s23+$0x180] =	vst v46  }
0x224: {  	v49 =	vadd.s32 $0x7148, v0;
	v11 =	vld.idx.msk [tilespmem:v27+s4+$0x0], $0xffff;
	[tilespmem:s0+$0x180] =	vst v6  }
0x225: {  	v6 =	vld.idx.msk [tilespmem:v47+s4+$0x0], $0xffff;
	[tilespmem:s31+$0x180] =	vst v3  }
0x226: {  	v50 =	vadd.s32 $0x7148, v1;
	v3 =	vld.idx.msk [tilespmem:v48+s4+$0x0], $0xffff;
	[tilespmem:s6+$0x180] =	vst v5  }
0x227: {  	v51 =	vadd.s32 $0x7148, v2;
	v5 =	vld.idx.msk [tilespmem:v20+s4+$0x0], $0xffff;
	[tilespmem:s1+$0x180] =	vst v8  }
0x228: {  	[tilespmem:s22+$0x200] =	vst v9;
	v8 =	vld.idx.msk [tilespmem:v19+s4+$0x0], $0xffff  }
0x229: {  	v9 =	vld.idx.msk [tilespmem:v49+s4+$0x0], $0xffff;
	[tilespmem:s23+$0x200] =	vst v11  }
0x22a: {  	v52 =	vadd.s32 $0x7530, v0;
	v11 =	vld.idx.msk [tilespmem:v62+s4+$0x0], $0xffff;
	[tilespmem:s0+$0x200] =	vst v6  }
0x22b: {  	v6 =	vld.idx.msk [tilespmem:v50+s4+$0x0], $0xffff;
	[tilespmem:s31+$0x200] =	vst v3  }
0x22c: {  	v53 =	vadd.s32 $0x7530, v1;
	v3 =	vld.idx.msk [tilespmem:v51+s4+$0x0], $0xffff;
	[tilespmem:s6+$0x200] =	vst v5  }
0x22d: {  	v54 =	vadd.s32 $0x7530, v2;
	v5 =	vld.idx.msk [tilespmem:v18+s4+$0x0], $0xffff;
	[tilespmem:s1+$0x200] =	vst v8  }
0x22e: {  	[tilespmem:s22+$0x280] =	vst v9;
	v8 =	vld.idx.msk [tilespmem:v17+s4+$0x0], $0xffff  }
0x22f: {  	v9 =	vld.idx.msk [tilespmem:v52+s4+$0x0], $0xffff;
	[tilespmem:s23+$0x280] =	vst v11  }
0x230: {  	v55 =	vadd.s32 $0x7918, v0;
	v56 =	vld.idx.msk [tilespmem:v14+s4+$0x0], $0xffff;
	[tilespmem:s0+$0x280] =	vst v6  }
0x231: {  	v6 =	vld.idx.msk [tilespmem:v53+s4+$0x0], $0xffff;
	[tilespmem:s31+$0x280] =	vst v3  }
0x232: {  	v57 =	vadd.s32 $0x7918, v1;
	v3 =	vld.idx.msk [tilespmem:v54+s4+$0x0], $0xffff;
	[tilespmem:s6+$0x280] =	vst v5  }
0x233: {  	v59 =	vadd.s32 $0x7918, v2;
	v60 =	vld.idx.msk [tilespmem:v16+s4+$0x0], $0xffff;
	[tilespmem:s1+$0x280] =	vst v8  }
0x234: {  	[tilespmem:s22+$0x300] =	vst v9;
	v58 =	vld.idx.msk [tilespmem:v15+s4+$0x0], $0xffff  }
0x235: {  	v0 =	vld.idx.msk [tilespmem:v55+s4+$0x0], $0xffff;
	[tilespmem:s23+$0x300] =	vst v56  }
0x236: {  	v61 =	vld.idx.msk [tilespmem:v12+s4+$0x0], $0xffff;
	[tilespmem:s0+$0x300] =	vst v6  }
0x237: {  	v1 =	vld.idx.msk [tilespmem:v57+s4+$0x0], $0xffff;
	[tilespmem:s31+$0x300] =	vst v3  }
0x238: {  	v2 =	vld.idx.msk [tilespmem:v59+s4+$0x0], $0xffff;
	[tilespmem:s6+$0x300] =	vst v60  }
0x239: {  	v63 =	vld.idx.msk [tilespmem:v31+s4+$0x0], $0xffff;
	[tilespmem:s1+$0x300] =	vst v58  }
0x23a: {  	[tilespmem:s22+$0x380] =	vst v0;
	v62 =	vld.idx.msk [tilespmem:v13+s4+$0x0], $0xffff  }
.Ltmp6:
0x23b: {  	[tilespmem:s23+$0x380] =	vst v61;
	(pc) =	sbr.rel @p0 .LBB2_9-.Ltmp6, $4  }
0x23c: {  	[tilespmem:s0+$0x380] =	vst v1  }
0x23d: {  	[tilespmem:s31+$0x380] =	vst v2  }
0x23e: {  	s0 =	smul.u32 $0xFA000, s29;
	[tilespmem:s6+$0x380] =	vst v63  }
0x23f: {  	p1 =	seq.s32 s28, $0x32;
	[tilespmem:s1+$0x380] =	vst v62  }
.Ltmp7:
0x240: {  	(pc) =	sbr.rel @!p1 .LBB2_2-.Ltmp7, $4  }
0x241: {  	s0 =	sshrl.u32 s0, $0x3  }
0x242: {  	s0 =	sadd.s32 s3, s0  }
0x243: {  	s29 =	smov.u32 s28;
	s0 =	sadd.s32 $0x1F000, s0  }
0x244: {  	[hbm4b:s0+s4] =	stream.linear.scatter [tilespmem:s30], [sflag:$0x2], $0x2000, $0x38;
	[tilespmem:$0x18500] =	vst v63  }
0x245: {  	s0 =	simm.s32 $0x2  }
0x246: {  	_ =	swait.ge [sflag:s0], $0x2000  }
.Ltmp8:
0x247: {  	[sflag:s0] =	ssyncset.done $0x0;
	(pc) =	sbr.rel .LBB2_11-.Ltmp8, $4  }
0x248: {  	[sflag:s0] =	ssyncadd.s32 $0xFFFFE000  }
0x249: {  	_ =	swait.ge [sflag:s0], $0x2000  }
0x24a: {  	[sflag:s0] =	ssyncset.done $0x0  }
0x24b: {  	[sflag:s0] =	ssyncadd.s32 $0xFFFFE000  }
.LBB2_12:
0x24c: {  	_ =	sfence.sel $0x180000  }
0x24d: {  	[bflag:$0x0] =	sbarrier.arrive $0xFFFF  }
0x24e: {  	_ =	strace $0x90000047  }
0x24f: {  	s0 =	stileid.u32;
	[bflag:$0x2] =	sbarrier.arrive $0xFFFF  }
0x250: {  	p0 =	sne.s32 s0, $0x0;
	s0 =	rddreg [dreg:$0x3]  }
0x251: {  	s0 =	sadd.s32 @!p0 $0x100000, s0  }
0x252: {  	[sflag:s0] =	ssyncadd.tile.s32 @!p0 $0x1;
	_ =	shalt  }
.Lfunc_end2:
_tile_overlayer_lowered:
.L_overlay_start_2:
0x253: {  	(tag) =	ssettag $0x2  }
0x254: {  	s0 =	rddreg [dreg:$0x0];
	s2 =	stileid.u32  }
0x255: {  	s1 =	rddreg [dreg:$0x1];
	p0 =	sne.s32 s2, $0x0  }
0x256: {  	s3 =	rddreg [dreg:$0x2];
	[bflag:$0x3] =	sbarrier.arrive $0xFFFF;
	s2 =	simm.s32 @!p0 $0x1C03  }
0x257: {  	[timem:s3], [sflag:s2] =	dma.local @!p0 [hbm:s0], s1  }
0x258: {  	s0 =	simm.s32 @!p0 $0x3  }
0x259: {  	_ =	swait.ge @!p0 [sflag:s0], s1  }
0x25a: {  	s1 =	ssub.s32 @!p0 $0x0, s1;
	[sflag:s0] =	ssyncset.done @!p0 $0x0  }
0x25b: {  	[sflag:s0] =	ssyncadd.s32 @!p0 s1  }
0x25c: {  	[bflag:$0x3] =	sbarrier.arrive $0xFFFF  }
0x25d: {  	_ =	shalt  }

</sc_bundles>
